<compile_context>
chip_gen: v7x
topology: tpu7x:2x2x1
jax: 0.10.2.dev20260603
libtpu: 0.0.44.dev20260713+nightly
codegen_flags: <defaults>
</compile_context>

<pallas_src>
import functools

import jax
import jax.numpy as jnp
from jax import lax
from jax.experimental import pallas as pl
from jax.experimental.pallas import tpu as pltpu
from jax.experimental.pallas import tpu_sc as plsc

N = 10000
E = 320000
H = 128
G = 50
F = 128
CUTOFF = 10.0
SHIFT = 0.6931471805599453

NC = 2
NS = 16
NW = NC * NS
K = 80
EPW = E // NW
CH = EPW // K

BE = 2000
BN = 2000


def _ssp(v):
    return jnp.maximum(v, 0.0) + jnp.log1p(jnp.exp(-jnp.abs(v))) - SHIFT



def _wfilt_body(ea_ref, el_ref, w1t_ref, b1_ref, w2t_ref, b2_ref, out_ref):
    hid = _ssp(jnp.dot(ea_ref[...], w1t_ref[...],
                       preferred_element_type=jnp.float32) + b1_ref[...])
    wf = jnp.dot(hid, w2t_ref[...],
                 preferred_element_type=jnp.float32) + b2_ref[...]
    el = el_ref[...]
    c = 0.5 * (jnp.cos(el * (jnp.pi / CUTOFF)) + 1.0)
    c = c * (el <= CUTOFF).astype(jnp.float32) * (el >= 0.0).astype(jnp.float32)
    out_ref[...] = wf * c


def _wfilt(edge_attr, edge_length, mlp_w1, mlp_b1, mlp_w2, mlp_b2):
    grid = (E // BE,)
    return pl.pallas_call(
        _wfilt_body,
        grid=grid,
        in_specs=[
            pl.BlockSpec((BE, G), lambda i: (i, 0)),
            pl.BlockSpec((BE, 1), lambda i: (i, 0)),
            pl.BlockSpec((G, F), lambda i: (0, 0)),
            pl.BlockSpec((1, F), lambda i: (0, 0)),
            pl.BlockSpec((F, F), lambda i: (0, 0)),
            pl.BlockSpec((1, F), lambda i: (0, 0)),
        ],
        out_specs=pl.BlockSpec((BE, F), lambda i: (i, 0)),
        out_shape=jax.ShapeDtypeStruct((E, F), jnp.float32),
    )(edge_attr, edge_length.reshape(E, 1), mlp_w1.T, mlp_b1.reshape(1, F),
      mlp_w2.T, mlp_b2.reshape(1, F))



def _h_body(x_ref, w_ref, out_ref):
    out_ref[...] = jnp.dot(x_ref[...], w_ref[...],
                           preferred_element_type=jnp.float32)


def _h(x, W1):
    return pl.pallas_call(
        _h_body,
        grid=(N // BN,),
        in_specs=[
            pl.BlockSpec((BN, H), lambda i: (i, 0)),
            pl.BlockSpec((H, F), lambda i: (0, 0)),
        ],
        out_specs=pl.BlockSpec((BN, F), lambda i: (i, 0)),
        out_shape=jax.ShapeDtypeStruct((N, F), jnp.float32),
    )(x, W1.T)



def _sc_body(h_hbm, wf_hbm, src_hbm, dst_hbm, zero_hbm,
             mij_hbm, part_hbm,
             srcv, dstv, hv, wv, acc, sem):
    cid = lax.axis_index("c")
    sid = lax.axis_index("s")
    wid = sid * NC + cid

    rpt = 624
    pltpu.sync_copy(zero_hbm.at[pl.ds(sid * rpt, rpt)],
                    acc.at[pl.ds(sid * rpt, rpt)])
    @pl.when(sid == NS - 1)
    def _():
        pltpu.sync_copy(zero_hbm.at[pl.ds(NS * rpt, N - NS * rpt)],
                        acc.at[pl.ds(NS * rpt, N - NS * rpt)])
    plsc.subcore_barrier()

    base_w = wid * EPW

    def chunk(j, carry):
        base = base_w + j * K
        pltpu.sync_copy(src_hbm.at[pl.ds(base, K)], srcv)
        pltpu.sync_copy(dst_hbm.at[pl.ds(base, K)], dstv)
        pltpu.async_copy(h_hbm.at[srcv], hv, sem).wait()
        pltpu.sync_copy(wf_hbm.at[pl.ds(base, K)], wv)

        def row(r, c2):
            for g in range(F // 16):
                sl = pl.ds(g * 16, 16)
                hv[r, sl] = hv[r, sl] * wv[r, sl]
            return c2
        lax.fori_loop(0, K, row, 0)

        pltpu.sync_copy(hv, mij_hbm.at[pl.ds(base, K)])
        pltpu.sync_copy(hv, acc.at[dstv], add=True)
        return carry

    lax.fori_loop(0, CH, chunk, 0)
    plsc.subcore_barrier()

    pltpu.sync_copy(acc.at[pl.ds(sid * rpt, rpt)],
                    part_hbm.at[cid, pl.ds(sid * rpt, rpt)])
    @pl.when(sid == NS - 1)
    def _():
        pltpu.sync_copy(acc.at[pl.ds(NS * rpt, N - NS * rpt)],
                        part_hbm.at[cid, pl.ds(NS * rpt, N - NS * rpt)])


def _sc_edge(h, wfilt, src, dst):
    mesh = plsc.VectorSubcoreMesh(core_axis_name="c", subcore_axis_name="s")
    zero = jnp.zeros((N, F), dtype=jnp.float32)
    fn = functools.partial(
        pl.kernel,
        mesh=mesh,
        out_type=[
            jax.ShapeDtypeStruct((E, F), jnp.float32),
            jax.ShapeDtypeStruct((NC, N, F), jnp.float32),
        ],
        scratch_types=[
            pltpu.VMEM((K,), jnp.int32),
            pltpu.VMEM((K,), jnp.int32),
            pltpu.VMEM((K, F), jnp.float32),
            pltpu.VMEM((K, F), jnp.float32),
            pltpu.VMEM_SHARED((N, F), jnp.float32),
            pltpu.SemaphoreType.DMA,
        ],
    )(_sc_body)
    return fn(h, wfilt, src, dst, zero)



def _final_body(x_ref, p0_ref, p1_ref, w2t_ref, b2_ref,
                wla_ref, wlb_ref, bl_ref, out_ref):
    m = p0_ref[...] + p1_ref[...]
    t = _ssp(jnp.dot(m, w2t_ref[...],
                     preferred_element_type=jnp.float32) + b2_ref[...])
    out_ref[...] = (jnp.dot(x_ref[...], wla_ref[...],
                            preferred_element_type=jnp.float32)
                    + jnp.dot(t, wlb_ref[...],
                              preferred_element_type=jnp.float32)
                    + bl_ref[...])


def _final(x, p0, p1, W2, b2, Wlin, blin):
    return pl.pallas_call(
        _final_body,
        grid=(N // BN,),
        in_specs=[
            pl.BlockSpec((BN, H), lambda i: (i, 0)),
            pl.BlockSpec((BN, F), lambda i: (i, 0)),
            pl.BlockSpec((BN, F), lambda i: (i, 0)),
            pl.BlockSpec((F, H), lambda i: (0, 0)),
            pl.BlockSpec((1, H), lambda i: (0, 0)),
            pl.BlockSpec((H, H), lambda i: (0, 0)),
            pl.BlockSpec((H, H), lambda i: (0, 0)),
            pl.BlockSpec((1, H), lambda i: (0, 0)),
        ],
        out_specs=pl.BlockSpec((BN, H), lambda i: (i, 0)),
        out_shape=jax.ShapeDtypeStruct((N, H), jnp.float32),
    )(x, p0, p1, W2.T, b2.reshape(1, H), Wlin[:, :H].T, Wlin[:, H:].T,
      blin.reshape(1, H))


def kernel(x, edge_index, edge_length, edge_attr,
           W1, mlp_w1, mlp_b1, mlp_w2, mlp_b2, W2, b2, Wlin, blin):
    src = edge_index[0].astype(jnp.int32)
    dst = edge_index[1].astype(jnp.int32)

    wfilt = _wfilt(edge_attr, edge_length, mlp_w1, mlp_b1, mlp_w2, mlp_b2)
    h = _h(x, W1)
    m_ij, partial = _sc_edge(h, wfilt, src, dst)
    out = _final(x, partial[0], partial[1], W2, b2, Wlin, blin)
    return (out, m_ij)

# --- scband reference (transcript-rebuilt; emitter-appended) ---
"""Pipeline reference for scband-interaction-block-8564164788999 (READ-ONLY COPY).

The authoritative reference and input builder live on the scoring server;
editing this copy changes nothing except your own understanding.
"""

import jax, jax.numpy as jnp
import numpy as np

N = 10000
E = 320000
H = 128   # hidden_channels
G = 50    # num_gaussians
F = 128   # num_filters
CUTOFF = 10.0


def setup_inputs(seed: int = 0) -> dict:
    key = jax.random.key(seed)
    ks = jax.random.split(key, 13)
    x = jax.random.normal(ks[0], (N, H), dtype=jnp.float32)
    edge_index = jax.random.randint(ks[1], (2, E), 0, N)
    edge_length = jax.random.uniform(ks[2], (E,), dtype=jnp.float32)
    edge_attr = jax.random.normal(ks[3], (E, G), dtype=jnp.float32)
    # learned parameters (torch Linear convention: weight [out, in])
    W1 = jax.random.normal(ks[4], (F, H), dtype=jnp.float32) * (1.0 / np.sqrt(H))      # conv.lin1 (no bias)
    mlp_w1 = jax.random.normal(ks[5], (F, G), dtype=jnp.float32) * (1.0 / np.sqrt(G))  # mlp Linear 1
    mlp_b1 = jnp.zeros((F,), dtype=jnp.float32)
    mlp_w2 = jax.random.normal(ks[6], (F, F), dtype=jnp.float32) * (1.0 / np.sqrt(F))  # mlp Linear 2
    mlp_b2 = jnp.zeros((F,), dtype=jnp.float32)
    W2 = jax.random.normal(ks[7], (H, F), dtype=jnp.float32) * (1.0 / np.sqrt(F))      # conv.lin2
    b2 = jnp.zeros((H,), dtype=jnp.float32)
    Wlin = jax.random.normal(ks[8], (H, 2 * H), dtype=jnp.float32) * (1.0 / np.sqrt(2 * H))  # self.lin
    blin = jnp.zeros((H,), dtype=jnp.float32)
    return {
        "x": x,
        "edge_index": edge_index,
        "edge_length": edge_length,
        "edge_attr": edge_attr,
        "W1": W1,
        "mlp_w1": mlp_w1,
        "mlp_b1": mlp_b1,
        "mlp_w2": mlp_w2,
        "mlp_b2": mlp_b2,
        "W2": W2,
        "b2": b2,
        "Wlin": Wlin,
        "blin": blin,
    }


def reference(x, edge_index, edge_length, edge_attr,
              W1, mlp_w1, mlp_b1, mlp_w2, mlp_b2, W2, b2, Wlin, blin):
    shift = jnp.log(2.0)

    def ssp(v):
        return jax.nn.softplus(v) - shift

    # smooth cutoff envelope
    C = 0.5 * (jnp.cos(edge_length * jnp.pi / CUTOFFF_safe()) + 1.0) if False else 0.5 * (jnp.cos(edge_length * jnp.pi / CUTOFF) + 1.0)
    C = C * (edge_length <= CUTOFF).astype(C.dtype) * (edge_length >= 0.0).astype(C.dtype)
    # filter-generating MLP
    hidden = ssp(edge_attr @ mlp_w1.T + mlp_b1)
    Wfilt = (hidden @ mlp_w2.T + mlp_b2) * C[:, None]
    # message passing
    h = x @ W1.T
    src = edge_index[0]
    dst = edge_index[1]
    m_ij = jnp.take(h, src, axis=0) * Wfilt
    m_i = jax.ops.segment_sum(m_ij, dst, num_segments=N)
    m_i = m_i @ W2.T + b2
    m_i = ssp(m_i)
    out = jnp.concatenate([x, m_i], axis=1) @ Wlin.T + blin
    return (out, m_ij)


def CUTOFFF_safe():
    return CUTOFF

if __name__ == "__main__":
    import jax
    _d = setup_inputs()
    print(jax.jit(kernel)(*tuple(_d.values())))

</pallas_src>

<mosaic_0001>
#map = affine_map<(d0, d1) -> (0, 0)>
#map1 = affine_map<(d0, d1) -> (0)>
#map2 = affine_map<(d0, d1) -> (0, 0, 0)>
module attributes {stable_mosaic.version = 14 : i64} {
  func.func @_sc_body(%arg0: i32, %arg1: i32, %arg2: memref<10000x128xf32, #tpu.memory_space<hbm>>, %arg3: memref<320000x128xf32, #tpu.memory_space<hbm>>, %arg4: memref<320000xi32, #tpu.memory_space<hbm>>, %arg5: memref<320000xi32, #tpu.memory_space<hbm>>, %arg6: memref<10000x128xf32, #tpu.memory_space<hbm>>, %arg7: memref<320000x128xf32, #tpu.memory_space<hbm>>, %arg8: memref<2x10000x128xf32, #tpu.memory_space<hbm>>, %arg9: memref<80xi32, #tpu.memory_space<vmem>>, %arg10: memref<80xi32, #tpu.memory_space<vmem>>, %arg11: memref<80x128xf32, #tpu.memory_space<vmem>>, %arg12: memref<80x128xf32, #tpu.memory_space<vmem>>, %arg13: memref<10000x128xf32, #tpu.memory_space<vmem_shared>>, %arg14: memref<!tpu.dma_semaphore, #tpu.memory_space<semaphore_mem>>) attributes {dimension_semantics = [#tpu.dimension_semantics<core_parallel>, #tpu.dimension_semantics<subcore_parallel>], iteration_bounds = array<i64: 2, 16>, scalar_prefetch = 0 : i64, scratch_operands = 6 : i64, tpu.core_type = #tpu.core_type<sc_vector_subcore>, window_params = [{transform_indices = #map}, {transform_indices = #map}, {transform_indices = #map1}, {transform_indices = #map1}, {transform_indices = #map}, {transform_indices = #map}, {transform_indices = #map2}]} {
    %mul3A = arith.constant 2 : i32
    %mul3A_0 = arith.muli %arg1, %mul3A : i32
    %add3A = arith.addi %mul3A_0, %arg0 : i32
    %mul3A_1 = arith.constant 624 : i32
    %mul3A_2 = arith.muli %arg1, %mul3A_1 : i32
    %mul3A_3 = arith.constant 624 : i32
    %mul3A_4 = arith.muli %arg1, %mul3A_3 : i32
    "tpu.region"() ({
      %run_scoped3A = tpu.sem_alloc : memref<!tpu.dma_semaphore, #tpu.memory_space<semaphore_mem>>
      %dma_start3A = arith.constant 0 : i32
      %dma_start3A_24 = tpu.memref_slice %arg13[%mul3A_4, %dma_start3A] : memref<10000x128xf32, #tpu.memory_space<vmem_shared>> -> memref<624x128xf32, #tpu.memory_space<vmem_shared>>
      %dma_start3A_25 = arith.constant 0 : i32
      %dma_start3A_26 = tpu.memref_slice %arg6[%mul3A_2, %dma_start3A_25] : memref<10000x128xf32, #tpu.memory_space<hbm>> -> memref<624x128xf32, #tpu.memory_space<hbm>>
      tpu.enqueue_dma source(%dma_start3A_26 : memref<624x128xf32, #tpu.memory_space<hbm>>) target(%dma_start3A_24 : memref<624x128xf32, #tpu.memory_space<vmem_shared>>) target_semaphore(%run_scoped3A : memref<!tpu.dma_semaphore, #tpu.memory_space<semaphore_mem>>)
      %dma_wait3A = arith.constant 0 : i32
      %dma_wait3A_27 = tpu.memref_slice %arg13[%mul3A_4, %dma_wait3A] : memref<10000x128xf32, #tpu.memory_space<vmem_shared>> -> memref<624x128xf32, #tpu.memory_space<vmem_shared>>
      %dma_wait3A_28 = arith.constant 0 : i32
      %dma_wait3A_29 = tpu.memref_slice %arg6[%mul3A_2, %dma_wait3A_28] : memref<10000x128xf32, #tpu.memory_space<hbm>> -> memref<624x128xf32, #tpu.memory_space<hbm>>
      tpu.wait_dma2 semaphore(%run_scoped3A : memref<!tpu.dma_semaphore, #tpu.memory_space<semaphore_mem>>) src(%dma_wait3A_29 : memref<624x128xf32, #tpu.memory_space<hbm>>) dst(%dma_wait3A_27 : memref<624x128xf32, #tpu.memory_space<vmem_shared>>)
      tpu.yield
    }) : () -> ()
    %eq3A = arith.constant 15 : i32
    %eq3A_5 = arith.cmpi eq, %arg1, %eq3A : i32
    %convert_element_type3A = arith.extui %eq3A_5 : i1 to i32
    %cond3A = arith.constant 0 : i32
    %cond3A_6 = arith.cmpi ne, %convert_element_type3A, %cond3A : i32
    scf.if %cond3A_6 {
      "tpu.region"() ({
        %run_scoped3A = tpu.sem_alloc : memref<!tpu.dma_semaphore, #tpu.memory_space<semaphore_mem>>
        %dma_start3A = arith.constant 9984 : i32
        %dma_start3A_24 = arith.constant 0 : i32
        %dma_start3A_25 = tpu.memref_slice %arg13[%dma_start3A, %dma_start3A_24] : memref<10000x128xf32, #tpu.memory_space<vmem_shared>> -> memref<16x128xf32, #tpu.memory_space<vmem_shared>>
        %dma_start3A_26 = arith.constant 9984 : i32
        %dma_start3A_27 = arith.constant 0 : i32
        %dma_start3A_28 = tpu.memref_slice %arg6[%dma_start3A_26, %dma_start3A_27] : memref<10000x128xf32, #tpu.memory_space<hbm>> -> memref<16x128xf32, #tpu.memory_space<hbm>>
        tpu.enqueue_dma source(%dma_start3A_28 : memref<16x128xf32, #tpu.memory_space<hbm>>) target(%dma_start3A_25 : memref<16x128xf32, #tpu.memory_space<vmem_shared>>) target_semaphore(%run_scoped3A : memref<!tpu.dma_semaphore, #tpu.memory_space<semaphore_mem>>)
        %dma_wait3A = arith.constant 9984 : i32
        %dma_wait3A_29 = arith.constant 0 : i32
        %dma_wait3A_30 = tpu.memref_slice %arg13[%dma_wait3A, %dma_wait3A_29] : memref<10000x128xf32, #tpu.memory_space<vmem_shared>> -> memref<16x128xf32, #tpu.memory_space<vmem_shared>>
        %dma_wait3A_31 = arith.constant 9984 : i32
        %dma_wait3A_32 = arith.constant 0 : i32
        %dma_wait3A_33 = tpu.memref_slice %arg6[%dma_wait3A_31, %dma_wait3A_32] : memref<10000x128xf32, #tpu.memory_space<hbm>> -> memref<16x128xf32, #tpu.memory_space<hbm>>
        tpu.wait_dma2 semaphore(%run_scoped3A : memref<!tpu.dma_semaphore, #tpu.memory_space<semaphore_mem>>) src(%dma_wait3A_33 : memref<16x128xf32, #tpu.memory_space<hbm>>) dst(%dma_wait3A_30 : memref<16x128xf32, #tpu.memory_space<vmem_shared>>)
        tpu.yield
      }) : () -> ()
    } else {
    }
    %barrier3A = arith.constant 0 : index
    tpu.barrier barrier_id(%barrier3A)
    %mul3A_7 = arith.constant 10000 : i32
    %mul3A_8 = arith.muli %add3A, %mul3A_7 : i32
    %scan3A = arith.constant 0 : i32
    %scan3A_9 = arith.constant 0 : i32
    %scan3A_10 = arith.constant 125 : i32
    %scan3A_11 = arith.addi %scan3A_9, %scan3A_10 : i32
    %scan3A_12 = arith.constant 1 : i32
    scf.for %scan3A_24 = %scan3A_9 to %scan3A_11 step %scan3A_12  : i32 {
      %mul3A_25 = arith.constant 80 : i32
      %mul3A_26 = arith.muli %scan3A_24, %mul3A_25 : i32
      %add3A_27 = arith.addi %mul3A_8, %mul3A_26 : i32
      "tpu.region"() ({
        %run_scoped3A = tpu.sem_alloc : memref<!tpu.dma_semaphore, #tpu.memory_space<semaphore_mem>>
        %dma_start3A_38 = tpu.memref_slice %arg4[%add3A_27] : memref<320000xi32, #tpu.memory_space<hbm>> -> memref<80xi32, #tpu.memory_space<hbm>>
        %dma_start3A_39 = tpu.memref_slice %arg4[%add3A_27] : memref<320000xi32, #tpu.memory_space<hbm>> -> memref<80xi32, #tpu.memory_space<hbm>>
        tpu.enqueue_dma source(%dma_start3A_39 : memref<80xi32, #tpu.memory_space<hbm>>) target(%arg9 : memref<80xi32, #tpu.memory_space<vmem>>) target_semaphore(%run_scoped3A : memref<!tpu.dma_semaphore, #tpu.memory_space<semaphore_mem>>)
        %dma_wait3A_40 = tpu.memref_slice %arg4[%add3A_27] : memref<320000xi32, #tpu.memory_space<hbm>> -> memref<80xi32, #tpu.memory_space<hbm>>
        %dma_wait3A_41 = tpu.memref_slice %arg4[%add3A_27] : memref<320000xi32, #tpu.memory_space<hbm>> -> memref<80xi32, #tpu.memory_space<hbm>>
        tpu.wait_dma2 semaphore(%run_scoped3A : memref<!tpu.dma_semaphore, #tpu.memory_space<semaphore_mem>>) src(%dma_wait3A_41 : memref<80xi32, #tpu.memory_space<hbm>>) dst(%arg9 : memref<80xi32, #tpu.memory_space<vmem>>)
        tpu.yield
      }) : () -> ()
      "tpu.region"() ({
        %run_scoped3A = tpu.sem_alloc : memref<!tpu.dma_semaphore, #tpu.memory_space<semaphore_mem>>
        %dma_start3A_38 = tpu.memref_slice %arg5[%add3A_27] : memref<320000xi32, #tpu.memory_space<hbm>> -> memref<80xi32, #tpu.memory_space<hbm>>
        %dma_start3A_39 = tpu.memref_slice %arg5[%add3A_27] : memref<320000xi32, #tpu.memory_space<hbm>> -> memref<80xi32, #tpu.memory_space<hbm>>
        tpu.enqueue_dma source(%dma_start3A_39 : memref<80xi32, #tpu.memory_space<hbm>>) target(%arg10 : memref<80xi32, #tpu.memory_space<vmem>>) target_semaphore(%run_scoped3A : memref<!tpu.dma_semaphore, #tpu.memory_space<semaphore_mem>>)
        %dma_wait3A_40 = tpu.memref_slice %arg5[%add3A_27] : memref<320000xi32, #tpu.memory_space<hbm>> -> memref<80xi32, #tpu.memory_space<hbm>>
        %dma_wait3A_41 = tpu.memref_slice %arg5[%add3A_27] : memref<320000xi32, #tpu.memory_space<hbm>> -> memref<80xi32, #tpu.memory_space<hbm>>
        tpu.wait_dma2 semaphore(%run_scoped3A : memref<!tpu.dma_semaphore, #tpu.memory_space<semaphore_mem>>) src(%dma_wait3A_41 : memref<80xi32, #tpu.memory_space<hbm>>) dst(%arg10 : memref<80xi32, #tpu.memory_space<vmem>>)
        tpu.yield
      }) : () -> ()
      %dma_start3A = arith.constant 0 : i32
      %dma_start3A_28 = arith.constant 0 : i32
      %dma_start3A_29 = tpu.memref_slice %arg2[%dma_start3A, %dma_start3A_28] : memref<10000x128xf32, #tpu.memory_space<hbm>> -> memref<10000x128xf32, #tpu.memory_space<hbm>>
      tpu.enqueue_indirect_dma source(%dma_start3A_29 : memref<10000x128xf32, #tpu.memory_space<hbm>>) target(%arg11 : memref<80x128xf32, #tpu.memory_space<vmem>>) offsets(%arg9 : memref<80xi32, #tpu.memory_space<vmem>>) semaphore(%arg14 : memref<!tpu.dma_semaphore, #tpu.memory_space<semaphore_mem>>)
      %dma_wait3A = arith.constant 0 : i32
      %dma_wait3A_30 = arith.constant 0 : i32
      %dma_wait3A_31 = tpu.memref_slice %arg2[%dma_wait3A, %dma_wait3A_30] : memref<10000x128xf32, #tpu.memory_space<hbm>> -> memref<10000x128xf32, #tpu.memory_space<hbm>>
      tpu.wait_indirect_dma semaphore(%arg14 : memref<!tpu.dma_semaphore, #tpu.memory_space<semaphore_mem>>) src(%dma_wait3A_31 : memref<10000x128xf32, #tpu.memory_space<hbm>>) dst(%arg11 : memref<80x128xf32, #tpu.memory_space<vmem>>)
      "tpu.region"() ({
        %run_scoped3A = tpu.sem_alloc : memref<!tpu.dma_semaphore, #tpu.memory_space<semaphore_mem>>
        %dma_start3A_38 = arith.constant 0 : i32
        %dma_start3A_39 = tpu.memref_slice %arg3[%add3A_27, %dma_start3A_38] : memref<320000x128xf32, #tpu.memory_space<hbm>> -> memref<80x128xf32, #tpu.memory_space<hbm>>
        %dma_start3A_40 = arith.constant 0 : i32
        %dma_start3A_41 = tpu.memref_slice %arg3[%add3A_27, %dma_start3A_40] : memref<320000x128xf32, #tpu.memory_space<hbm>> -> memref<80x128xf32, #tpu.memory_space<hbm>>
        tpu.enqueue_dma source(%dma_start3A_41 : memref<80x128xf32, #tpu.memory_space<hbm>>) target(%arg12 : memref<80x128xf32, #tpu.memory_space<vmem>>) target_semaphore(%run_scoped3A : memref<!tpu.dma_semaphore, #tpu.memory_space<semaphore_mem>>)
        %dma_wait3A_42 = arith.constant 0 : i32
        %dma_wait3A_43 = tpu.memref_slice %arg3[%add3A_27, %dma_wait3A_42] : memref<320000x128xf32, #tpu.memory_space<hbm>> -> memref<80x128xf32, #tpu.memory_space<hbm>>
        %dma_wait3A_44 = arith.constant 0 : i32
        %dma_wait3A_45 = tpu.memref_slice %arg3[%add3A_27, %dma_wait3A_44] : memref<320000x128xf32, #tpu.memory_space<hbm>> -> memref<80x128xf32, #tpu.memory_space<hbm>>
        tpu.wait_dma2 semaphore(%run_scoped3A : memref<!tpu.dma_semaphore, #tpu.memory_space<semaphore_mem>>) src(%dma_wait3A_45 : memref<80x128xf32, #tpu.memory_space<hbm>>) dst(%arg12 : memref<80x128xf32, #tpu.memory_space<vmem>>)
        tpu.yield
      }) : () -> ()
      %scan3A_32 = arith.constant 0 : i32
      %scan3A_33 = arith.constant 0 : i32
      %scan3A_34 = arith.constant 80 : i32
      %scan3A_35 = arith.addi %scan3A_33, %scan3A_34 : i32
      %scan3A_36 = arith.constant 1 : i32
      scf.for %scan3A_38 = %scan3A_33 to %scan3A_35 step %scan3A_36  : i32 {
        %get3A = arith.index_cast %scan3A_38 : i32 to index
        %get3A_39 = arith.constant 0 : index
        %get3A_40 = tpu.vector_load %arg11[%get3A, %get3A_39] {strides = array<i32>} : memref<80x128xf32, #tpu.memory_space<vmem>>, vector<1x16xf32>,
        %get3A_41 = vector.shape_cast %get3A_40 : vector<1x16xf32> to vector<16xf32>
        %get3A_42 = arith.index_cast %scan3A_38 : i32 to index
        %get3A_43 = arith.constant 0 : index
        %get3A_44 = tpu.vector_load %arg12[%get3A_42, %get3A_43] {strides = array<i32>} : memref<80x128xf32, #tpu.memory_space<vmem>>, vector<1x16xf32>,
        %get3A_45 = vector.shape_cast %get3A_44 : vector<1x16xf32> to vector<16xf32>
        %mul3A_46 = arith.mulf %get3A_41, %get3A_45 : vector<16xf32>
        %swap3A = arith.index_cast %scan3A_38 : i32 to index
        %swap3A_47 = arith.constant 0 : index
        %swap3A_48 = tpu.vector_load %arg11[%swap3A, %swap3A_47] {strides = array<i32>} : memref<80x128xf32, #tpu.memory_space<vmem>>, vector<1x16xf32>,
        %swap3A_49 = vector.shape_cast %swap3A_48 : vector<1x16xf32> to vector<16xf32>
        %swap3A_50 = vector.shape_cast %mul3A_46 : vector<16xf32> to vector<1x16xf32>
        tpu.vector_store %arg11[%swap3A, %swap3A_47], %swap3A_50 {strides = array<i32>} : memref<80x128xf32, #tpu.memory_space<vmem>>, vector<1x16xf32>,
        %get3A_51 = arith.index_cast %scan3A_38 : i32 to index
        %get3A_52 = arith.constant 16 : index
        %get3A_53 = tpu.vector_load %arg11[%get3A_51, %get3A_52] {strides = array<i32>} : memref<80x128xf32, #tpu.memory_space<vmem>>, vector<1x16xf32>,
        %get3A_54 = vector.shape_cast %get3A_53 : vector<1x16xf32> to vector<16xf32>
        %get3A_55 = arith.index_cast %scan3A_38 : i32 to index
        %get3A_56 = arith.constant 16 : index
        %get3A_57 = tpu.vector_load %arg12[%get3A_55, %get3A_56] {strides = array<i32>} : memref<80x128xf32, #tpu.memory_space<vmem>>, vector<1x16xf32>,
        %get3A_58 = vector.shape_cast %get3A_57 : vector<1x16xf32> to vector<16xf32>
        %mul3A_59 = arith.mulf %get3A_54, %get3A_58 : vector<16xf32>
        %swap3A_60 = arith.index_cast %scan3A_38 : i32 to index
        %swap3A_61 = arith.constant 16 : index
        %swap3A_62 = tpu.vector_load %arg11[%swap3A_60, %swap3A_61] {strides = array<i32>} : memref<80x128xf32, #tpu.memory_space<vmem>>, vector<1x16xf32>,
        %swap3A_63 = vector.shape_cast %swap3A_62 : vector<1x16xf32> to vector<16xf32>
        %swap3A_64 = vector.shape_cast %mul3A_59 : vector<16xf32> to vector<1x16xf32>
        tpu.vector_store %arg11[%swap3A_60, %swap3A_61], %swap3A_64 {strides = array<i32>} : memref<80x128xf32, #tpu.memory_space<vmem>>, vector<1x16xf32>,
        %get3A_65 = arith.index_cast %scan3A_38 : i32 to index
        %get3A_66 = arith.constant 32 : index
        %get3A_67 = tpu.vector_load %arg11[%get3A_65, %get3A_66] {strides = array<i32>} : memref<80x128xf32, #tpu.memory_space<vmem>>, vector<1x16xf32>,
        %get3A_68 = vector.shape_cast %get3A_67 : vector<1x16xf32> to vector<16xf32>
        %get3A_69 = arith.index_cast %scan3A_38 : i32 to index
        %get3A_70 = arith.constant 32 : index
        %get3A_71 = tpu.vector_load %arg12[%get3A_69, %get3A_70] {strides = array<i32>} : memref<80x128xf32, #tpu.memory_space<vmem>>, vector<1x16xf32>,
        %get3A_72 = vector.shape_cast %get3A_71 : vector<1x16xf32> to vector<16xf32>
        %mul3A_73 = arith.mulf %get3A_68, %get3A_72 : vector<16xf32>
        %swap3A_74 = arith.index_cast %scan3A_38 : i32 to index
        %swap3A_75 = arith.constant 32 : index
        %swap3A_76 = tpu.vector_load %arg11[%swap3A_74, %swap3A_75] {strides = array<i32>} : memref<80x128xf32, #tpu.memory_space<vmem>>, vector<1x16xf32>,
        %swap3A_77 = vector.shape_cast %swap3A_76 : vector<1x16xf32> to vector<16xf32>
        %swap3A_78 = vector.shape_cast %mul3A_73 : vector<16xf32> to vector<1x16xf32>
        tpu.vector_store %arg11[%swap3A_74, %swap3A_75], %swap3A_78 {strides = array<i32>} : memref<80x128xf32, #tpu.memory_space<vmem>>, vector<1x16xf32>,
        %get3A_79 = arith.index_cast %scan3A_38 : i32 to index
        %get3A_80 = arith.constant 48 : index
        %get3A_81 = tpu.vector_load %arg11[%get3A_79, %get3A_80] {strides = array<i32>} : memref<80x128xf32, #tpu.memory_space<vmem>>, vector<1x16xf32>,
        %get3A_82 = vector.shape_cast %get3A_81 : vector<1x16xf32> to vector<16xf32>
        %get3A_83 = arith.index_cast %scan3A_38 : i32 to index
        %get3A_84 = arith.constant 48 : index
        %get3A_85 = tpu.vector_load %arg12[%get3A_83, %get3A_84] {strides = array<i32>} : memref<80x128xf32, #tpu.memory_space<vmem>>, vector<1x16xf32>,
        %get3A_86 = vector.shape_cast %get3A_85 : vector<1x16xf32> to vector<16xf32>
        %mul3A_87 = arith.mulf %get3A_82, %get3A_86 : vector<16xf32>
        %swap3A_88 = arith.index_cast %scan3A_38 : i32 to index
        %swap3A_89 = arith.constant 48 : index
        %swap3A_90 = tpu.vector_load %arg11[%swap3A_88, %swap3A_89] {strides = array<i32>} : memref<80x128xf32, #tpu.memory_space<vmem>>, vector<1x16xf32>,
        %swap3A_91 = vector.shape_cast %swap3A_90 : vector<1x16xf32> to vector<16xf32>
        %swap3A_92 = vector.shape_cast %mul3A_87 : vector<16xf32> to vector<1x16xf32>
        tpu.vector_store %arg11[%swap3A_88, %swap3A_89], %swap3A_92 {strides = array<i32>} : memref<80x128xf32, #tpu.memory_space<vmem>>, vector<1x16xf32>,
        %get3A_93 = arith.index_cast %scan3A_38 : i32 to index
        %get3A_94 = arith.constant 64 : index
        %get3A_95 = tpu.vector_load %arg11[%get3A_93, %get3A_94] {strides = array<i32>} : memref<80x128xf32, #tpu.memory_space<vmem>>, vector<1x16xf32>,
        %get3A_96 = vector.shape_cast %get3A_95 : vector<1x16xf32> to vector<16xf32>
        %get3A_97 = arith.index_cast %scan3A_38 : i32 to index
        %get3A_98 = arith.constant 64 : index
        %get3A_99 = tpu.vector_load %arg12[%get3A_97, %get3A_98] {strides = array<i32>} : memref<80x128xf32, #tpu.memory_space<vmem>>, vector<1x16xf32>,
        %get3A_100 = vector.shape_cast %get3A_99 : vector<1x16xf32> to vector<16xf32>
        %mul3A_101 = arith.mulf %get3A_96, %get3A_100 : vector<16xf32>
        %swap3A_102 = arith.index_cast %scan3A_38 : i32 to index
        %swap3A_103 = arith.constant 64 : index
        %swap3A_104 = tpu.vector_load %arg11[%swap3A_102, %swap3A_103] {strides = array<i32>} : memref<80x128xf32, #tpu.memory_space<vmem>>, vector<1x16xf32>,
        %swap3A_105 = vector.shape_cast %swap3A_104 : vector<1x16xf32> to vector<16xf32>
        %swap3A_106 = vector.shape_cast %mul3A_101 : vector<16xf32> to vector<1x16xf32>
        tpu.vector_store %arg11[%swap3A_102, %swap3A_103], %swap3A_106 {strides = array<i32>} : memref<80x128xf32, #tpu.memory_space<vmem>>, vector<1x16xf32>,
        %get3A_107 = arith.index_cast %scan3A_38 : i32 to index
        %get3A_108 = arith.constant 80 : index
        %get3A_109 = tpu.vector_load %arg11[%get3A_107, %get3A_108] {strides = array<i32>} : memref<80x128xf32, #tpu.memory_space<vmem>>, vector<1x16xf32>,
        %get3A_110 = vector.shape_cast %get3A_109 : vector<1x16xf32> to vector<16xf32>
        %get3A_111 = arith.index_cast %scan3A_38 : i32 to index
        %get3A_112 = arith.constant 80 : index
        %get3A_113 = tpu.vector_load %arg12[%get3A_111, %get3A_112] {strides = array<i32>} : memref<80x128xf32, #tpu.memory_space<vmem>>, vector<1x16xf32>,
        %get3A_114 = vector.shape_cast %get3A_113 : vector<1x16xf32> to vector<16xf32>
        %mul3A_115 = arith.mulf %get3A_110, %get3A_114 : vector<16xf32>
        %swap3A_116 = arith.index_cast %scan3A_38 : i32 to index
        %swap3A_117 = arith.constant 80 : index
        %swap3A_118 = tpu.vector_load %arg11[%swap3A_116, %swap3A_117] {strides = array<i32>} : memref<80x128xf32, #tpu.memory_space<vmem>>, vector<1x16xf32>,
        %swap3A_119 = vector.shape_cast %swap3A_118 : vector<1x16xf32> to vector<16xf32>
        %swap3A_120 = vector.shape_cast %mul3A_115 : vector<16xf32> to vector<1x16xf32>
        tpu.vector_store %arg11[%swap3A_116, %swap3A_117], %swap3A_120 {strides = array<i32>} : memref<80x128xf32, #tpu.memory_space<vmem>>, vector<1x16xf32>,
        %get3A_121 = arith.index_cast %scan3A_38 : i32 to index
        %get3A_122 = arith.constant 96 : index
        %get3A_123 = tpu.vector_load %arg11[%get3A_121, %get3A_122] {strides = array<i32>} : memref<80x128xf32, #tpu.memory_space<vmem>>, vector<1x16xf32>,
        %get3A_124 = vector.shape_cast %get3A_123 : vector<1x16xf32> to vector<16xf32>
        %get3A_125 = arith.index_cast %scan3A_38 : i32 to index
        %get3A_126 = arith.constant 96 : index
        %get3A_127 = tpu.vector_load %arg12[%get3A_125, %get3A_126] {strides = array<i32>} : memref<80x128xf32, #tpu.memory_space<vmem>>, vector<1x16xf32>,
        %get3A_128 = vector.shape_cast %get3A_127 : vector<1x16xf32> to vector<16xf32>
        %mul3A_129 = arith.mulf %get3A_124, %get3A_128 : vector<16xf32>
        %swap3A_130 = arith.index_cast %scan3A_38 : i32 to index
        %swap3A_131 = arith.constant 96 : index
        %swap3A_132 = tpu.vector_load %arg11[%swap3A_130, %swap3A_131] {strides = array<i32>} : memref<80x128xf32, #tpu.memory_space<vmem>>, vector<1x16xf32>,
        %swap3A_133 = vector.shape_cast %swap3A_132 : vector<1x16xf32> to vector<16xf32>
        %swap3A_134 = vector.shape_cast %mul3A_129 : vector<16xf32> to vector<1x16xf32>
        tpu.vector_store %arg11[%swap3A_130, %swap3A_131], %swap3A_134 {strides = array<i32>} : memref<80x128xf32, #tpu.memory_space<vmem>>, vector<1x16xf32>,
        %get3A_135 = arith.index_cast %scan3A_38 : i32 to index
        %get3A_136 = arith.constant 112 : index
        %get3A_137 = tpu.vector_load %arg11[%get3A_135, %get3A_136] {strides = array<i32>} : memref<80x128xf32, #tpu.memory_space<vmem>>, vector<1x16xf32>,
        %get3A_138 = vector.shape_cast %get3A_137 : vector<1x16xf32> to vector<16xf32>
        %get3A_139 = arith.index_cast %scan3A_38 : i32 to index
        %get3A_140 = arith.constant 112 : index
        %get3A_141 = tpu.vector_load %arg12[%get3A_139, %get3A_140] {strides = array<i32>} : memref<80x128xf32, #tpu.memory_space<vmem>>, vector<1x16xf32>,
        %get3A_142 = vector.shape_cast %get3A_141 : vector<1x16xf32> to vector<16xf32>
        %mul3A_143 = arith.mulf %get3A_138, %get3A_142 : vector<16xf32>
        %swap3A_144 = arith.index_cast %scan3A_38 : i32 to index
        %swap3A_145 = arith.constant 112 : index
        %swap3A_146 = tpu.vector_load %arg11[%swap3A_144, %swap3A_145] {strides = array<i32>} : memref<80x128xf32, #tpu.memory_space<vmem>>, vector<1x16xf32>,
        %swap3A_147 = vector.shape_cast %swap3A_146 : vector<1x16xf32> to vector<16xf32>
        %swap3A_148 = vector.shape_cast %mul3A_143 : vector<16xf32> to vector<1x16xf32>
        tpu.vector_store %arg11[%swap3A_144, %swap3A_145], %swap3A_148 {strides = array<i32>} : memref<80x128xf32, #tpu.memory_space<vmem>>, vector<1x16xf32>,
      }
      %scan3A_37 = arith.constant 80 : i32
      "tpu.region"() ({
        %run_scoped3A = tpu.sem_alloc : memref<!tpu.dma_semaphore, #tpu.memory_space<semaphore_mem>>
        %dma_start3A_38 = arith.constant 0 : i32
        %dma_start3A_39 = tpu.memref_slice %arg7[%add3A_27, %dma_start3A_38] : memref<320000x128xf32, #tpu.memory_space<hbm>> -> memref<80x128xf32, #tpu.memory_space<hbm>>
        %dma_start3A_40 = arith.constant 0 : i32
        %dma_start3A_41 = tpu.memref_slice %arg7[%add3A_27, %dma_start3A_40] : memref<320000x128xf32, #tpu.memory_space<hbm>> -> memref<80x128xf32, #tpu.memory_space<hbm>>
        tpu.enqueue_dma source(%arg11 : memref<80x128xf32, #tpu.memory_space<vmem>>) target(%dma_start3A_41 : memref<80x128xf32, #tpu.memory_space<hbm>>) target_semaphore(%run_scoped3A : memref<!tpu.dma_semaphore, #tpu.memory_space<semaphore_mem>>)
        %dma_wait3A_42 = arith.constant 0 : i32
        %dma_wait3A_43 = tpu.memref_slice %arg7[%add3A_27, %dma_wait3A_42] : memref<320000x128xf32, #tpu.memory_space<hbm>> -> memref<80x128xf32, #tpu.memory_space<hbm>>
        %dma_wait3A_44 = arith.constant 0 : i32
        %dma_wait3A_45 = tpu.memref_slice %arg7[%add3A_27, %dma_wait3A_44] : memref<320000x128xf32, #tpu.memory_space<hbm>> -> memref<80x128xf32, #tpu.memory_space<hbm>>
        tpu.wait_dma2 semaphore(%run_scoped3A : memref<!tpu.dma_semaphore, #tpu.memory_space<semaphore_mem>>) src(%arg11 : memref<80x128xf32, #tpu.memory_space<vmem>>) dst(%dma_wait3A_45 : memref<80x128xf32, #tpu.memory_space<hbm>>)
        tpu.yield
      }) : () -> ()
      "tpu.region"() ({
        %run_scoped3A = tpu.sem_alloc : memref<!tpu.dma_semaphore, #tpu.memory_space<semaphore_mem>>
        %dma_start3A_38 = arith.constant 0 : i32
        %dma_start3A_39 = arith.constant 0 : i32
        %dma_start3A_40 = tpu.memref_slice %arg13[%dma_start3A_38, %dma_start3A_39] : memref<10000x128xf32, #tpu.memory_space<vmem_shared>> -> memref<10000x128xf32, #tpu.memory_space<vmem_shared>>
        tpu.enqueue_indirect_dma source(%arg11 : memref<80x128xf32, #tpu.memory_space<vmem>>) target(%dma_start3A_40 : memref<10000x128xf32, #tpu.memory_space<vmem_shared>>) offsets(%arg10 : memref<80xi32, #tpu.memory_space<vmem>>) semaphore(%run_scoped3A : memref<!tpu.dma_semaphore, #tpu.memory_space<semaphore_mem>>) {add = true}
        %dma_wait3A_41 = arith.constant 0 : i32
        %dma_wait3A_42 = arith.constant 0 : i32
        %dma_wait3A_43 = tpu.memref_slice %arg13[%dma_wait3A_41, %dma_wait3A_42] : memref<10000x128xf32, #tpu.memory_space<vmem_shared>> -> memref<10000x128xf32, #tpu.memory_space<vmem_shared>>
        tpu.wait_indirect_dma semaphore(%run_scoped3A : memref<!tpu.dma_semaphore, #tpu.memory_space<semaphore_mem>>) src(%arg11 : memref<80x128xf32, #tpu.memory_space<vmem>>) dst(%dma_wait3A_43 : memref<10000x128xf32, #tpu.memory_space<vmem_shared>>)
        tpu.yield
      }) : () -> ()
    }
    %scan3A_13 = arith.constant 125 : i32
    %barrier3A_14 = arith.constant 0 : index
    tpu.barrier barrier_id(%barrier3A_14)
    %mul3A_15 = arith.constant 624 : i32
    %mul3A_16 = arith.muli %arg1, %mul3A_15 : i32
    %mul3A_17 = arith.constant 624 : i32
    %mul3A_18 = arith.muli %arg1, %mul3A_17 : i32
    "tpu.region"() ({
      %run_scoped3A = tpu.sem_alloc : memref<!tpu.dma_semaphore, #tpu.memory_space<semaphore_mem>>
      %dma_start3A = arith.constant 0 : i32
      %dma_start3A_24 = tpu.memref_slice %arg8[%arg0, %mul3A_18, %dma_start3A] : memref<2x10000x128xf32, #tpu.memory_space<hbm>> -> memref<1x624x128xf32, #tpu.memory_space<hbm>>
      %dma_start3A_25 = tpu.memref_squeeze %dma_start3A_24 : memref<1x624x128xf32, #tpu.memory_space<hbm>> -> memref<624x128xf32, #tpu.memory_space<hbm>>
      %dma_start3A_26 = arith.constant 0 : i32
      %dma_start3A_27 = tpu.memref_slice %arg13[%mul3A_16, %dma_start3A_26] : memref<10000x128xf32, #tpu.memory_space<vmem_shared>> -> memref<624x128xf32, #tpu.memory_space<vmem_shared>>
      tpu.enqueue_dma source(%dma_start3A_27 : memref<624x128xf32, #tpu.memory_space<vmem_shared>>) target(%dma_start3A_25 : memref<624x128xf32, #tpu.memory_space<hbm>>) target_semaphore(%run_scoped3A : memref<!tpu.dma_semaphore, #tpu.memory_space<semaphore_mem>>)
      %dma_wait3A = arith.constant 0 : i32
      %dma_wait3A_28 = tpu.memref_slice %arg8[%arg0, %mul3A_18, %dma_wait3A] : memref<2x10000x128xf32, #tpu.memory_space<hbm>> -> memref<1x624x128xf32, #tpu.memory_space<hbm>>
      %dma_wait3A_29 = tpu.memref_squeeze %dma_wait3A_28 : memref<1x624x128xf32, #tpu.memory_space<hbm>> -> memref<624x128xf32, #tpu.memory_space<hbm>>
      %dma_wait3A_30 = arith.constant 0 : i32
      %dma_wait3A_31 = tpu.memref_slice %arg13[%mul3A_16, %dma_wait3A_30] : memref<10000x128xf32, #tpu.memory_space<vmem_shared>> -> memref<624x128xf32, #tpu.memory_space<vmem_shared>>
      tpu.wait_dma2 semaphore(%run_scoped3A : memref<!tpu.dma_semaphore, #tpu.memory_space<semaphore_mem>>) src(%dma_wait3A_31 : memref<624x128xf32, #tpu.memory_space<vmem_shared>>) dst(%dma_wait3A_29 : memref<624x128xf32, #tpu.memory_space<hbm>>)
      tpu.yield
    }) : () -> ()
    %eq3A_19 = arith.constant 15 : i32
    %eq3A_20 = arith.cmpi eq, %arg1, %eq3A_19 : i32
    %convert_element_type3A_21 = arith.extui %eq3A_20 : i1 to i32
    %cond3A_22 = arith.constant 0 : i32
    %cond3A_23 = arith.cmpi ne, %convert_element_type3A_21, %cond3A_22 : i32
    scf.if %cond3A_23 {
      "tpu.region"() ({
        %run_scoped3A = tpu.sem_alloc : memref<!tpu.dma_semaphore, #tpu.memory_space<semaphore_mem>>
        %dma_start3A = arith.constant 9984 : i32
        %dma_start3A_24 = arith.constant 0 : i32
        %dma_start3A_25 = tpu.memref_slice %arg8[%arg0, %dma_start3A, %dma_start3A_24] : memref<2x10000x128xf32, #tpu.memory_space<hbm>> -> memref<1x16x128xf32, #tpu.memory_space<hbm>>
        %dma_start3A_26 = tpu.memref_squeeze %dma_start3A_25 : memref<1x16x128xf32, #tpu.memory_space<hbm>> -> memref<16x128xf32, #tpu.memory_space<hbm>>
        %dma_start3A_27 = arith.constant 9984 : i32
        %dma_start3A_28 = arith.constant 0 : i32
        %dma_start3A_29 = tpu.memref_slice %arg13[%dma_start3A_27, %dma_start3A_28] : memref<10000x128xf32, #tpu.memory_space<vmem_shared>> -> memref<16x128xf32, #tpu.memory_space<vmem_shared>>
        tpu.enqueue_dma source(%dma_start3A_29 : memref<16x128xf32, #tpu.memory_space<vmem_shared>>) target(%dma_start3A_26 : memref<16x128xf32, #tpu.memory_space<hbm>>) target_semaphore(%run_scoped3A : memref<!tpu.dma_semaphore, #tpu.memory_space<semaphore_mem>>)
        %dma_wait3A = arith.constant 9984 : i32
        %dma_wait3A_30 = arith.constant 0 : i32
        %dma_wait3A_31 = tpu.memref_slice %arg8[%arg0, %dma_wait3A, %dma_wait3A_30] : memref<2x10000x128xf32, #tpu.memory_space<hbm>> -> memref<1x16x128xf32, #tpu.memory_space<hbm>>
        %dma_wait3A_32 = tpu.memref_squeeze %dma_wait3A_31 : memref<1x16x128xf32, #tpu.memory_space<hbm>> -> memref<16x128xf32, #tpu.memory_space<hbm>>
        %dma_wait3A_33 = arith.constant 9984 : i32
        %dma_wait3A_34 = arith.constant 0 : i32
        %dma_wait3A_35 = tpu.memref_slice %arg13[%dma_wait3A_33, %dma_wait3A_34] : memref<10000x128xf32, #tpu.memory_space<vmem_shared>> -> memref<16x128xf32, #tpu.memory_space<vmem_shared>>
        tpu.wait_dma2 semaphore(%run_scoped3A : memref<!tpu.dma_semaphore, #tpu.memory_space<semaphore_mem>>) src(%dma_wait3A_35 : memref<16x128xf32, #tpu.memory_space<vmem_shared>>) dst(%dma_wait3A_32 : memref<16x128xf32, #tpu.memory_space<hbm>>)
        tpu.yield
      }) : () -> ()
    } else {
    }
    return
  }
}

module attributes {stable_mosaic.version = 14 : i64} {
  func.func @_h_body(%arg0: i32, %arg1: memref<2000x128xf32, #tpu.memory_space<vmem>>, %arg2: memref<128x128xf32, #tpu.memory_space<vmem>>, %arg3: memref<2000x128xf32, #tpu.memory_space<vmem>>) attributes {dimension_semantics = [#tpu.dimension_semantics<arbitrary>], iteration_bounds = array<i64: 5>, scalar_prefetch = 0 : i64, scratch_operands = 0 : i64, tpu.core_type = #tpu.core_type<tc>, window_params = [{transform_indices = @transform_0, window_bounds = array<i64: 2000, 128>}, {pipeline_mode = #tpu.pipeline_mode<synchronous>, transform_indices = @transform_1, window_bounds = array<i64: 128, 128>}, {transform_indices = @transform_2, window_bounds = array<i64: 2000, 128>}]} {
    %get3A = arith.constant 0 : index
    %get3A_0 = arith.constant 0 : index
    %get3A_1 = vector.load %arg1[%get3A, %get3A_0] : memref<2000x128xf32, #tpu.memory_space<vmem>>, vector<2000x128xf32>
    %get3A_2 = arith.constant 0 : index
    %get3A_3 = arith.constant 0 : index
    %get3A_4 = vector.load %arg2[%get3A_2, %get3A_3] : memref<128x128xf32, #tpu.memory_space<vmem>>, vector<128x128xf32>
    %dot_general3A = arith.constant dense<0.000000e+00> : vector<2000x128xf32>
    %dot_general3A_5 = tpu.matmul %get3A_1, %get3A_4, %dot_general3A {dimension_numbers = #tpu.dot_dimension_numbers<[1], [0], [0], [1], [0, 0, 1, 1], [], []>, transpose_lhs_hint = false} : vector<2000x128xf32>, vector<128x128xf32>, vector<2000x128xf32> -> vector<2000x128xf32>
    %swap3A = arith.constant 0 : index
    %swap3A_6 = arith.constant 0 : index
    %swap3A_7 = vector.load %arg3[%swap3A, %swap3A_6] : memref<2000x128xf32, #tpu.memory_space<vmem>>, vector<2000x128xf32>
    tpu.vector_store %arg3[%swap3A, %swap3A_6], %dot_general3A_5 {strides = array<i32>} : memref<2000x128xf32, #tpu.memory_space<vmem>>, vector<2000x128xf32>,
    return
  }
  func.func @transform_0(%arg0: i32) -> (i32, i32) {
    %c0_i32 = arith.constant 0 : i32
    %c0_i32_0 = arith.constant 0 : i32
    return %arg0, %c0_i32 : i32, i32
  }
  func.func @transform_1(%arg0: i32) -> (i32, i32) {
    %c0_i32 = arith.constant 0 : i32
    %c0_i32_0 = arith.constant 0 : i32
    %c0_i32_1 = arith.constant 0 : i32
    return %c0_i32, %c0_i32_0 : i32, i32
  }
  func.func @transform_2(%arg0: i32) -> (i32, i32) {
    %c0_i32 = arith.constant 0 : i32
    %c0_i32_0 = arith.constant 0 : i32
    return %arg0, %c0_i32 : i32, i32
  }
}

module attributes {stable_mosaic.version = 14 : i64} {
  func.func @_wfilt_body(%arg0: i32, %arg1: memref<2000x50xf32, #tpu.memory_space<vmem>>, %arg2: memref<2000x1xf32, #tpu.memory_space<vmem>>, %arg3: memref<50x128xf32, #tpu.memory_space<vmem>>, %arg4: memref<1x128xf32, #tpu.memory_space<vmem>>, %arg5: memref<128x128xf32, #tpu.memory_space<vmem>>, %arg6: memref<1x128xf32, #tpu.memory_space<vmem>>, %arg7: memref<2000x128xf32, #tpu.memory_space<vmem>>) attributes {dimension_semantics = [#tpu.dimension_semantics<arbitrary>], iteration_bounds = array<i64: 160>, scalar_prefetch = 0 : i64, scratch_operands = 0 : i64, tpu.core_type = #tpu.core_type<tc>, window_params = [{transform_indices = @transform_0, window_bounds = array<i64: 2000, 50>}, {transform_indices = @transform_1, window_bounds = array<i64: 2000, 1>}, {pipeline_mode = #tpu.pipeline_mode<synchronous>, transform_indices = @transform_2, window_bounds = array<i64: 50, 128>}, {pipeline_mode = #tpu.pipeline_mode<synchronous>, transform_indices = @transform_3, window_bounds = array<i64: 1, 128>}, {pipeline_mode = #tpu.pipeline_mode<synchronous>, transform_indices = @transform_4, window_bounds = array<i64: 128, 128>}, {pipeline_mode = #tpu.pipeline_mode<synchronous>, transform_indices = @transform_5, window_bounds = array<i64: 1, 128>}, {transform_indices = @transform_6, window_bounds = array<i64: 2000, 128>}]} {
    %get3A = arith.constant 0 : index
    %get3A_0 = arith.constant 0 : index
    %get3A_1 = vector.load %arg1[%get3A, %get3A_0] : memref<2000x50xf32, #tpu.memory_space<vmem>>, vector<2000x50xf32>
    %get3A_2 = arith.constant 0 : index
    %get3A_3 = arith.constant 0 : index
    %get3A_4 = vector.load %arg3[%get3A_2, %get3A_3] : memref<50x128xf32, #tpu.memory_space<vmem>>, vector<50x128xf32>
    %dot_general3A = arith.constant dense<0.000000e+00> : vector<2000x128xf32>
    %dot_general3A_5 = tpu.matmul %get3A_1, %get3A_4, %dot_general3A {dimension_numbers = #tpu.dot_dimension_numbers<[1], [0], [0], [1], [0, 0, 1, 1], [], []>, transpose_lhs_hint = false} : vector<2000x50xf32>, vector<50x128xf32>, vector<2000x128xf32> -> vector<2000x128xf32>
    %get3A_6 = arith.constant 0 : index
    %get3A_7 = arith.constant 0 : index
    %get3A_8 = vector.load %arg4[%get3A_6, %get3A_7] : memref<1x128xf32, #tpu.memory_space<vmem>>, vector<1x128xf32>
    %add3A = vector.broadcast %get3A_8 : vector<1x128xf32> to vector<2000x128xf32>
    %add3A_9 = arith.addf %dot_general3A_5, %add3A : vector<2000x128xf32>
    %max3A = arith.constant 0.000000e+00 : f32
    %max3A_10 = vector.broadcast %max3A : f32 to vector<2000x128xf32>
    %max3A_11 = arith.maximumf %add3A_9, %max3A_10 : vector<2000x128xf32>
    %abs3A = math.absf %add3A_9 : vector<2000x128xf32>
    %neg3A = arith.constant 0.000000e+00 : f32
    %neg3A_12 = vector.broadcast %neg3A : f32 to vector<2000x128xf32>
    %neg3A_13 = arith.subf %neg3A_12, %abs3A : vector<2000x128xf32>
    %exp3A = math.exp %neg3A_13 : vector<2000x128xf32>
    %log1p3A = math.log1p %exp3A : vector<2000x128xf32>
    %add3A_14 = arith.addf %max3A_11, %log1p3A : vector<2000x128xf32>
    %sub3A = arith.constant 0.693147182 : f32
    %sub3A_15 = vector.broadcast %sub3A : f32 to vector<2000x128xf32>
    %sub3A_16 = arith.subf %add3A_14, %sub3A_15 : vector<2000x128xf32>
    %get3A_17 = arith.constant 0 : index
    %get3A_18 = arith.constant 0 : index
    %get3A_19 = vector.load %arg5[%get3A_17, %get3A_18] : memref<128x128xf32, #tpu.memory_space<vmem>>, vector<128x128xf32>
    %dot_general3A_20 = arith.constant dense<0.000000e+00> : vector<2000x128xf32>
    %dot_general3A_21 = tpu.matmul %sub3A_16, %get3A_19, %dot_general3A_20 {dimension_numbers = #tpu.dot_dimension_numbers<[1], [0], [0], [1], [0, 0, 1, 1], [], []>, transpose_lhs_hint = false} : vector<2000x128xf32>, vector<128x128xf32>, vector<2000x128xf32> -> vector<2000x128xf32>
    %get3A_22 = arith.constant 0 : index
    %get3A_23 = arith.constant 0 : index
    %get3A_24 = vector.load %arg6[%get3A_22, %get3A_23] : memref<1x128xf32, #tpu.memory_space<vmem>>, vector<1x128xf32>
    %add3A_25 = vector.broadcast %get3A_24 : vector<1x128xf32> to vector<2000x128xf32>
    %add3A_26 = arith.addf %dot_general3A_21, %add3A_25 : vector<2000x128xf32>
    %get3A_27 = arith.constant 0 : index
    %get3A_28 = arith.constant 0 : index
    %get3A_29 = vector.load %arg2[%get3A_27, %get3A_28] : memref<2000x1xf32, #tpu.memory_space<vmem>>, vector<2000x1xf32>
    %mul3A = arith.constant 0.314159274 : f32
    %mul3A_30 = vector.broadcast %mul3A : f32 to vector<2000x1xf32>
    %mul3A_31 = arith.mulf %get3A_29, %mul3A_30 : vector<2000x1xf32>
    %cos3A = math.cos %mul3A_31 : vector<2000x1xf32>
    %add3A_32 = arith.constant 1.000000e+00 : f32
    %add3A_33 = vector.broadcast %add3A_32 : f32 to vector<2000x1xf32>
    %add3A_34 = arith.addf %cos3A, %add3A_33 : vector<2000x1xf32>
    %mul3A_35 = arith.constant 5.000000e-01 : f32
    %mul3A_36 = vector.broadcast %mul3A_35 : f32 to vector<2000x1xf32>
    %mul3A_37 = arith.mulf %mul3A_36, %add3A_34 : vector<2000x1xf32>
    %le3A = arith.constant 1.000000e+01 : f32
    %le3A_38 = vector.broadcast %le3A : f32 to vector<2000x1xf32>
    %le3A_39 = arith.cmpf ole, %get3A_29, %le3A_38 : vector<2000x1xf32>
    %convert_element_type3A = arith.extui %le3A_39 : vector<2000x1xi1> to vector<2000x1xi32>
    %convert_element_type3A_40 = arith.sitofp %convert_element_type3A : vector<2000x1xi32> to vector<2000x1xf32>
    %mul3A_41 = arith.mulf %mul3A_37, %convert_element_type3A_40 : vector<2000x1xf32>
    %ge3A = arith.constant 0.000000e+00 : f32
    %ge3A_42 = vector.broadcast %ge3A : f32 to vector<2000x1xf32>
    %ge3A_43 = arith.cmpf oge, %get3A_29, %ge3A_42 : vector<2000x1xf32>
    %convert_element_type3A_44 = arith.extui %ge3A_43 : vector<2000x1xi1> to vector<2000x1xi32>
    %convert_element_type3A_45 = arith.sitofp %convert_element_type3A_44 : vector<2000x1xi32> to vector<2000x1xf32>
    %mul3A_46 = arith.mulf %mul3A_41, %convert_element_type3A_45 : vector<2000x1xf32>
    %mul3A_47 = vector.broadcast %mul3A_46 : vector<2000x1xf32> to vector<2000x128xf32>
    %mul3A_48 = arith.mulf %add3A_26, %mul3A_47 : vector<2000x128xf32>
    %swap3A = arith.constant 0 : index
    %swap3A_49 = arith.constant 0 : index
    %swap3A_50 = vector.load %arg7[%swap3A, %swap3A_49] : memref<2000x128xf32, #tpu.memory_space<vmem>>, vector<2000x128xf32>
    tpu.vector_store %arg7[%swap3A, %swap3A_49], %mul3A_48 {strides = array<i32>} : memref<2000x128xf32, #tpu.memory_space<vmem>>, vector<2000x128xf32>,
    return
  }
  func.func @transform_0(%arg0: i32) -> (i32, i32) {
    %c0_i32 = arith.constant 0 : i32
    %c0_i32_0 = arith.constant 0 : i32
    return %arg0, %c0_i32 : i32, i32
  }
  func.func @transform_1(%arg0: i32) -> (i32, i32) {
    %c0_i32 = arith.constant 0 : i32
    %c0_i32_0 = arith.constant 0 : i32
    return %arg0, %c0_i32 : i32, i32
  }
  func.func @transform_2(%arg0: i32) -> (i32, i32) {
    %c0_i32 = arith.constant 0 : i32
    %c0_i32_0 = arith.constant 0 : i32
    %c0_i32_1 = arith.constant 0 : i32
    return %c0_i32, %c0_i32_0 : i32, i32
  }
  func.func @transform_3(%arg0: i32) -> (i32, i32) {
    %c0_i32 = arith.constant 0 : i32
    %c0_i32_0 = arith.constant 0 : i32
    %c0_i32_1 = arith.constant 0 : i32
    return %c0_i32, %c0_i32_0 : i32, i32
  }
  func.func @transform_4(%arg0: i32) -> (i32, i32) {
    %c0_i32 = arith.constant 0 : i32
    %c0_i32_0 = arith.constant 0 : i32
    %c0_i32_1 = arith.constant 0 : i32
    return %c0_i32, %c0_i32_0 : i32, i32
  }
  func.func @transform_5(%arg0: i32) -> (i32, i32) {
    %c0_i32 = arith.constant 0 : i32
    %c0_i32_0 = arith.constant 0 : i32
    %c0_i32_1 = arith.constant 0 : i32
    return %c0_i32, %c0_i32_0 : i32, i32
  }
  func.func @transform_6(%arg0: i32) -> (i32, i32) {
    %c0_i32 = arith.constant 0 : i32
    %c0_i32_0 = arith.constant 0 : i32
    return %arg0, %c0_i32 : i32, i32
  }
}

module attributes {stable_mosaic.version = 14 : i64} {
  func.func @_final_body(%arg0: i32, %arg1: memref<2000x128xf32, #tpu.memory_space<vmem>>, %arg2: memref<2000x128xf32, #tpu.memory_space<vmem>>, %arg3: memref<2000x128xf32, #tpu.memory_space<vmem>>, %arg4: memref<128x128xf32, #tpu.memory_space<vmem>>, %arg5: memref<1x128xf32, #tpu.memory_space<vmem>>, %arg6: memref<128x128xf32, #tpu.memory_space<vmem>>, %arg7: memref<128x128xf32, #tpu.memory_space<vmem>>, %arg8: memref<1x128xf32, #tpu.memory_space<vmem>>, %arg9: memref<2000x128xf32, #tpu.memory_space<vmem>>) attributes {dimension_semantics = [#tpu.dimension_semantics<arbitrary>], iteration_bounds = array<i64: 5>, scalar_prefetch = 0 : i64, scratch_operands = 0 : i64, tpu.core_type = #tpu.core_type<tc>, window_params = [{transform_indices = @transform_0, window_bounds = array<i64: 2000, 128>}, {transform_indices = @transform_1, window_bounds = array<i64: 2000, 128>}, {transform_indices = @transform_2, window_bounds = array<i64: 2000, 128>}, {pipeline_mode = #tpu.pipeline_mode<synchronous>, transform_indices = @transform_3, window_bounds = array<i64: 128, 128>}, {pipeline_mode = #tpu.pipeline_mode<synchronous>, transform_indices = @transform_4, window_bounds = array<i64: 1, 128>}, {pipeline_mode = #tpu.pipeline_mode<synchronous>, transform_indices = @transform_5, window_bounds = array<i64: 128, 128>}, {pipeline_mode = #tpu.pipeline_mode<synchronous>, transform_indices = @transform_6, window_bounds = array<i64: 128, 128>}, {pipeline_mode = #tpu.pipeline_mode<synchronous>, transform_indices = @transform_7, window_bounds = array<i64: 1, 128>}, {transform_indices = @transform_8, window_bounds = array<i64: 2000, 128>}]} {
    %get3A = arith.constant 0 : index
    %get3A_0 = arith.constant 0 : index
    %get3A_1 = vector.load %arg2[%get3A, %get3A_0] : memref<2000x128xf32, #tpu.memory_space<vmem>>, vector<2000x128xf32>
    %get3A_2 = arith.constant 0 : index
    %get3A_3 = arith.constant 0 : index
    %get3A_4 = vector.load %arg3[%get3A_2, %get3A_3] : memref<2000x128xf32, #tpu.memory_space<vmem>>, vector<2000x128xf32>
    %add3A = arith.addf %get3A_1, %get3A_4 : vector<2000x128xf32>
    %get3A_5 = arith.constant 0 : index
    %get3A_6 = arith.constant 0 : index
    %get3A_7 = vector.load %arg4[%get3A_5, %get3A_6] : memref<128x128xf32, #tpu.memory_space<vmem>>, vector<128x128xf32>
    %dot_general3A = arith.constant dense<0.000000e+00> : vector<2000x128xf32>
    %dot_general3A_8 = tpu.matmul %add3A, %get3A_7, %dot_general3A {dimension_numbers = #tpu.dot_dimension_numbers<[1], [0], [0], [1], [0, 0, 1, 1], [], []>, transpose_lhs_hint = false} : vector<2000x128xf32>, vector<128x128xf32>, vector<2000x128xf32> -> vector<2000x128xf32>
    %get3A_9 = arith.constant 0 : index
    %get3A_10 = arith.constant 0 : index
    %get3A_11 = vector.load %arg5[%get3A_9, %get3A_10] : memref<1x128xf32, #tpu.memory_space<vmem>>, vector<1x128xf32>
    %add3A_12 = vector.broadcast %get3A_11 : vector<1x128xf32> to vector<2000x128xf32>
    %add3A_13 = arith.addf %dot_general3A_8, %add3A_12 : vector<2000x128xf32>
    %max3A = arith.constant 0.000000e+00 : f32
    %max3A_14 = vector.broadcast %max3A : f32 to vector<2000x128xf32>
    %max3A_15 = arith.maximumf %add3A_13, %max3A_14 : vector<2000x128xf32>
    %abs3A = math.absf %add3A_13 : vector<2000x128xf32>
    %neg3A = arith.constant 0.000000e+00 : f32
    %neg3A_16 = vector.broadcast %neg3A : f32 to vector<2000x128xf32>
    %neg3A_17 = arith.subf %neg3A_16, %abs3A : vector<2000x128xf32>
    %exp3A = math.exp %neg3A_17 : vector<2000x128xf32>
    %log1p3A = math.log1p %exp3A : vector<2000x128xf32>
    %add3A_18 = arith.addf %max3A_15, %log1p3A : vector<2000x128xf32>
    %sub3A = arith.constant 0.693147182 : f32
    %sub3A_19 = vector.broadcast %sub3A : f32 to vector<2000x128xf32>
    %sub3A_20 = arith.subf %add3A_18, %sub3A_19 : vector<2000x128xf32>
    %get3A_21 = arith.constant 0 : index
    %get3A_22 = arith.constant 0 : index
    %get3A_23 = vector.load %arg1[%get3A_21, %get3A_22] : memref<2000x128xf32, #tpu.memory_space<vmem>>, vector<2000x128xf32>
    %get3A_24 = arith.constant 0 : index
    %get3A_25 = arith.constant 0 : index
    %get3A_26 = vector.load %arg6[%get3A_24, %get3A_25] : memref<128x128xf32, #tpu.memory_space<vmem>>, vector<128x128xf32>
    %dot_general3A_27 = arith.constant dense<0.000000e+00> : vector<2000x128xf32>
    %dot_general3A_28 = tpu.matmul %get3A_23, %get3A_26, %dot_general3A_27 {dimension_numbers = #tpu.dot_dimension_numbers<[1], [0], [0], [1], [0, 0, 1, 1], [], []>, transpose_lhs_hint = false} : vector<2000x128xf32>, vector<128x128xf32>, vector<2000x128xf32> -> vector<2000x128xf32>
    %get3A_29 = arith.constant 0 : index
    %get3A_30 = arith.constant 0 : index
    %get3A_31 = vector.load %arg7[%get3A_29, %get3A_30] : memref<128x128xf32, #tpu.memory_space<vmem>>, vector<128x128xf32>
    %dot_general3A_32 = arith.constant dense<0.000000e+00> : vector<2000x128xf32>
    %dot_general3A_33 = tpu.matmul %sub3A_20, %get3A_31, %dot_general3A_32 {dimension_numbers = #tpu.dot_dimension_numbers<[1], [0], [0], [1], [0, 0, 1, 1], [], []>, transpose_lhs_hint = false} : vector<2000x128xf32>, vector<128x128xf32>, vector<2000x128xf32> -> vector<2000x128xf32>
    %add3A_34 = arith.addf %dot_general3A_28, %dot_general3A_33 : vector<2000x128xf32>
    %get3A_35 = arith.constant 0 : index
    %get3A_36 = arith.constant 0 : index
    %get3A_37 = vector.load %arg8[%get3A_35, %get3A_36] : memref<1x128xf32, #tpu.memory_space<vmem>>, vector<1x128xf32>
    %add3A_38 = vector.broadcast %get3A_37 : vector<1x128xf32> to vector<2000x128xf32>
    %add3A_39 = arith.addf %add3A_34, %add3A_38 : vector<2000x128xf32>
    %swap3A = arith.constant 0 : index
    %swap3A_40 = arith.constant 0 : index
    %swap3A_41 = vector.load %arg9[%swap3A, %swap3A_40] : memref<2000x128xf32, #tpu.memory_space<vmem>>, vector<2000x128xf32>
    tpu.vector_store %arg9[%swap3A, %swap3A_40], %add3A_39 {strides = array<i32>} : memref<2000x128xf32, #tpu.memory_space<vmem>>, vector<2000x128xf32>,
    return
  }
  func.func @transform_0(%arg0: i32) -> (i32, i32) {
    %c0_i32 = arith.constant 0 : i32
    %c0_i32_0 = arith.constant 0 : i32
    return %arg0, %c0_i32 : i32, i32
  }
  func.func @transform_1(%arg0: i32) -> (i32, i32) {
    %c0_i32 = arith.constant 0 : i32
    %c0_i32_0 = arith.constant 0 : i32
    return %arg0, %c0_i32 : i32, i32
  }
  func.func @transform_2(%arg0: i32) -> (i32, i32) {
    %c0_i32 = arith.constant 0 : i32
    %c0_i32_0 = arith.constant 0 : i32
    return %arg0, %c0_i32 : i32, i32
  }
  func.func @transform_3(%arg0: i32) -> (i32, i32) {
    %c0_i32 = arith.constant 0 : i32
    %c0_i32_0 = arith.constant 0 : i32
    %c0_i32_1 = arith.constant 0 : i32
    return %c0_i32, %c0_i32_0 : i32, i32
  }
  func.func @transform_4(%arg0: i32) -> (i32, i32) {
    %c0_i32 = arith.constant 0 : i32
    %c0_i32_0 = arith.constant 0 : i32
    %c0_i32_1 = arith.constant 0 : i32
    return %c0_i32, %c0_i32_0 : i32, i32
  }
  func.func @transform_5(%arg0: i32) -> (i32, i32) {
    %c0_i32 = arith.constant 0 : i32
    %c0_i32_0 = arith.constant 0 : i32
    %c0_i32_1 = arith.constant 0 : i32
    return %c0_i32, %c0_i32_0 : i32, i32
  }
  func.func @transform_6(%arg0: i32) -> (i32, i32) {
    %c0_i32 = arith.constant 0 : i32
    %c0_i32_0 = arith.constant 0 : i32
    %c0_i32_1 = arith.constant 0 : i32
    return %c0_i32, %c0_i32_0 : i32, i32
  }
  func.func @transform_7(%arg0: i32) -> (i32, i32) {
    %c0_i32 = arith.constant 0 : i32
    %c0_i32_0 = arith.constant 0 : i32
    %c0_i32_1 = arith.constant 0 : i32
    return %c0_i32, %c0_i32_0 : i32, i32
  }
  func.func @transform_8(%arg0: i32) -> (i32, i32) {
    %c0_i32 = arith.constant 0 : i32
    %c0_i32_0 = arith.constant 0 : i32
    return %arg0, %c0_i32 : i32, i32
  }
}

</mosaic_0001>

<sc_bundles>
// kernel: kernel.6.cloned.1.call-start
scs
__scs_entry_jumppad:
0x0: {  	(pc) =	sbr.rel $0x88, $3  }
0x1: {  	(tag) =	ssettag $0x0;
	lr =	simm.s32 $0x1  }
0x2: {  	[smem:$0x3F94] =	sst lr;
	_ =	strace $0xD0000000  }
0x3: {  	_ = 	snop  }
0x4: {  	_ = 	snop  }
0x5: {  	_ = 	snop  }
0x6: {  	_ = 	snop  }
0x7: {  	_ = 	snop  }
__scs_overlays_trampoline_lowered:
0x8: {  	[smem:$0x3FA3] =	sst s0  }
0x9: {  	[smem:$0x3FA4] =	sst s1  }
0xa: {  	[smem:$0x3FA5] =	sst s2  }
0xb: {  	[smem:$0x3FA6] =	sst s3  }
0xc: {  	[smem:$0x3FA7] =	sst s4  }
0xd: {  	[smem:$0x3FA8] =	sst s5  }
0xe: {  	[smem:$0x3FA9] =	sst s6  }
0xf: {  	[smem:$0x3FAA] =	sst s7  }
0x10: {  	[smem:$0x3FAB] =	sst s8  }
0x11: {  	[smem:$0x3FAC] =	sst s9;
	s0 =	simm.s32 @!p0 $0x0  }
0x12: {  	s1 =	sld [smem:$0x3F92];
	s0 =	simm.s32 @p0 $0x1  }
0x13: {  	[smem:$0x3FAD] =	sst s0;
	s0 =	simm.s32 @!p1 $0x0  }
0x14: {  	s2 =	sld [smem:$0x3F91];
	s0 =	simm.s32 @p1 $0x1  }
0x15: {  	[smem:$0x3FAE] =	sst s0;
	s0 =	simm.s32 @!p2 $0x0  }
0x16: {  	s3 =	sld [smem:$0x3FDB];
	s0 =	simm.s32 @p2 $0x1  }
0x17: {  	s4 =	simm.s32 $0x1BF5;
	[smem:$0x3FB0] =	sst s0  }
0x18: {  	s0 =	sld [smem:$0x3F93];
	_ =	swait.ge [sflag:s4], $0x0  }
0x19: {  	s7 =	sld [smem:$0x3F94]  }
0x1a: {  	s8 =	sadd.s32 $0xFFFFE003, lr  }
0x1b: {  	s9 =	sadd.s32 $0xFFFFFEF7, lr;
	s5 =	simm.s32 $0xFFFFFFFF;
	p2 =	slt.u32 s8, $0xFFFFF086  }
0x1c: {  	p1 =	slt.u32 s9, $0xF7A;
	s5 =	simm.s32 @!p2 $0x0  }
0x1d: {  	s5 =	simm.s32 @p1 $0x1;
	p0 =	seq.s32 s7, s2  }
0x1e: {  	s7 =	smul.u32 @!p0 $0xF7A, s2;
	p2 =	seq.s32 @!p0 s5, $0x0  }
0x1f: {  	s9 =	smul.u32 $0xF7A, s1;
	s8 =	simm.s32 @!p0 $0x1BF5;
	p2 =	por !p2, p0  }
0x20: {  	[sflag:s8] =	ssyncset.s32 @!p0 $0xFFFFF086;
	s6 =	sadd.s32 @!p0 s3, s7;
	s7 =	simm.s32 @!p0 $0x108  }
0x21: {  	s3 =	sadd.s32 s3, s9;
	s6 =	sadd.s32 @!p0 $0x88, s6;
	s7 =	simm.s32 @p2 $0x1082  }
0x22: {  	[simem:s7], [sflag:s8] =	dma.local @!p0 [hbm:s6], $0xF7A  }
0x23: {  	s9 =	sor.u32 $0xD0000000, s2;
	s6 =	simm.s32 $0x108;
	_ =	swait.ge @!p0 [sflag:s8], $0x0  }
0x24: {  	s3 =	sadd.s32 $0x88, s3;
	s6 =	simm.s32 @!p1 $0x1082;
	[sflag:s4] =	ssyncset.s32 $0xFFFFF086  }
0x25: {  	[simem:s6], [sflag:s4] =	dma.local [hbm:s3], $0xF7A  }
0x26: {  	[smem:$0x3F94] =	sst s1;
	(tag) =	ssettag s2;
	_ =	strace s9  }
0x27: {  	s1 =	sld [smem:$0x3FA4]  }
0x28: {  	s2 =	sld [smem:$0x3FA5]  }
0x29: {  	s4 =	sld [smem:$0x3FA7]  }
0x2a: {  	p0 =	seq.s32 s5, $0x0;
	s5 =	sld [smem:$0x3FA8]  }
0x2b: {  	s6 =	sld [smem:$0x3FA9]  }
0x2c: {  	s7 =	sld [smem:$0x3FAA]  }
0x2d: {  	s3 =	simm.s32 $0x108;
	s8 =	sld [smem:$0x3FAB]  }
0x2e: {  	s3 =	simm.s32 @!p0 $0x1082;
	s9 =	sld [smem:$0x3FAC]  }
0x2f: {  	lr =	sadd.s32 s0, s3;
	s0 =	sld [smem:$0x3FA3]  }
0x30: {  	s3 =	sld [smem:$0x3FA6]  }
0x31: {  	[smem:$0x3FAF] =	sst s10  }
0x32: {  	s10 =	sld [smem:$0x3FAD];
	_ =	sdelay $0x3  }
0x33: {  	p0 =	seq.s32 s10, $0x1;
	s10 =	sld [smem:$0x3FAF];
	_ =	sdelay $0x3  }
0x34: {  	[smem:$0x3FAF] =	sst s10  }
0x35: {  	s10 =	sld [smem:$0x3FAE];
	_ =	sdelay $0x3  }
0x36: {  	p1 =	seq.s32 s10, $0x1;
	s10 =	sld [smem:$0x3FAF];
	_ =	sdelay $0x3  }
0x37: {  	[smem:$0x3FAF] =	sst s10  }
0x38: {  	s10 =	sld [smem:$0x3FB0]  }
0x39: {  	_ = 	snop;
	(pc) =	sbr.ind lr, $3  }
0x3a: {  	_ = 	snop  }
0x3b: {  	_ = 	snop  }
0x3c: {  	p2 =	seq.s32 s10, $0x1;
	s10 =	sld [smem:$0x3FAF]  }
0x3d: {  	_ =	shalt  }
0x3e: {  	_ =	shalt  }
0x3f: {  	_ =	shalt  }
0x40: {  	_ =	shalt  }
0x41: {  	_ =	shalt  }
0x42: {  	_ =	shalt  }
0x43: {  	_ =	shalt  }
0x44: {  	_ =	shalt  }
0x45: {  	_ =	shalt  }
0x46: {  	_ =	shalt  }
0x47: {  	_ =	shalt  }
0x48: {  	_ =	shalt  }
0x49: {  	_ =	shalt  }
0x4a: {  	_ =	shalt  }
0x4b: {  	_ =	shalt  }
0x4c: {  	_ =	shalt  }
0x4d: {  	_ =	shalt  }
0x4e: {  	_ =	shalt  }
0x4f: {  	_ =	shalt  }
0x50: {  	_ =	shalt  }
0x51: {  	_ =	shalt  }
0x52: {  	_ =	shalt  }
0x53: {  	_ =	shalt  }
0x54: {  	_ =	shalt  }
0x55: {  	_ =	shalt  }
0x56: {  	_ =	shalt  }
0x57: {  	_ =	shalt  }
0x58: {  	_ =	shalt  }
0x59: {  	_ =	shalt  }
0x5a: {  	_ =	shalt  }
0x5b: {  	_ =	shalt  }
0x5c: {  	_ =	shalt  }
0x5d: {  	_ =	shalt  }
0x5e: {  	_ =	shalt  }
0x5f: {  	_ =	shalt  }
0x60: {  	_ =	shalt  }
0x61: {  	_ =	shalt  }
0x62: {  	_ =	shalt  }
0x63: {  	_ =	shalt  }
0x64: {  	_ =	shalt  }
0x65: {  	_ =	shalt  }
0x66: {  	_ =	shalt  }
0x67: {  	_ =	shalt  }
0x68: {  	_ =	shalt  }
0x69: {  	_ =	shalt  }
0x6a: {  	_ =	shalt  }
0x6b: {  	_ =	shalt  }
0x6c: {  	_ =	shalt  }
0x6d: {  	_ =	shalt  }
0x6e: {  	_ =	shalt  }
0x6f: {  	_ =	shalt  }
0x70: {  	_ =	shalt  }
0x71: {  	_ =	shalt  }
0x72: {  	_ =	shalt  }
0x73: {  	_ =	shalt  }
0x74: {  	_ =	shalt  }
0x75: {  	_ =	shalt  }
0x76: {  	_ =	shalt  }
0x77: {  	_ =	shalt  }
0x78: {  	_ =	shalt  }
0x79: {  	_ =	shalt  }
0x7a: {  	_ =	shalt  }
0x7b: {  	_ =	shalt  }
0x7c: {  	_ =	shalt  }
0x7d: {  	_ =	shalt  }
0x7e: {  	_ =	shalt  }
0x7f: {  	_ =	shalt  }
0x80: {  	_ =	shalt  }
0x81: {  	_ =	shalt  }
0x82: {  	_ =	shalt  }
0x83: {  	_ =	shalt  }
0x84: {  	_ =	shalt  }
0x85: {  	_ =	shalt  }
0x86: {  	_ =	shalt  }
0x87: {  	_ =	shalt  }
.Lfunc_end0:
.L_simem_size_0:
called_computation_lowered:
.L_overlay_start_0:
0x88: {  	s2 =	sld [smem:$0x3FD9]  }
0x89: {  	s3 =	sld [smem:$0x3FFE];
	_ =	sdelay $0x1  }
0x8a: {  	s1 =	srdreg.scid  }
0x8b: {  	s0 =	sand.u32 $0x1, s1  }
0x8c: {  	s14 =	sshll.u32 s0, $0xA;
	s2 =	sadd.s32 s3, s2  }
0x8d: {  	s2 =	sadd.s32 s2, s14  }
0x8e: {  	[smem:$0x3FBB] =	sst s2  }
0x8f: {  	_ = 	snop  }
0x90: {  	s2 =	sld [smem:$0x3FD0];
	_ =	sdelay $0x2  }
0x91: {  	s15 =	simm.s32 $0xA;
	s4 =	simm.s32 $0x10  }
0x92: {  	[smem:s4], [sflag:s15] =	dma.local [hbm:s2], $0x1  }
0x93: {  	_ =	swait.eq [sflag:s15], $0x1  }
0x94: {  	[sflag:s15] =	ssyncset.done $0x0  }
0x95: {  	s16 =	sld [smem:$0x10];
	[sflag:s15] =	ssyncadd.s32 $0xFFFFFFFF  }
0x96: {  	s17 =	sld [smem:$0x11];
	(tm) =	ssettm $0x1  }
0x97: {  	s18 =	sld [smem:$0x3FFB];
	_ =	sdelay $0x3  }
0x98: {  	_ =	strace s18  }
0x99: {  	s4 =	sld [smem:$0x3FFC];
	_ =	sdelay $0x3  }
0x9a: {  	_ =	strace s4  }
0x9b: {  	s4 =	sld [smem:$0x3FFD];
	_ =	sdelay $0x3  }
0x9c: {  	_ =	strace s4  }
0x9d: {  	_ =	strace $0x8FFFFFFF  }
0x9e: {  	s19 =	sld [smem:$0x3FDB];
	_ =	sdelay $0x1  }
0x9f: {  	s5 =	simm.s32 $_scs_section_size  }
0xa0: {  	s6 =	simm.s32 $_size__tile_overlayer_lowered;
	s7 =	simm.s32 $_tile_overlayer_lowered  }
0xa1: {  	s22 =	simm.s32 $0x1BFF;
	s21 =	sshll.u32 s7, $0x1;
	s4 =	sadd.s32 s5, s19  }
0xa2: {  	s8 =	simm.s32 $0x0;
	s20 =	sshll.u32 s6, $0x1;
	s6 =	sadd.s32 s21, s4  }
0xa3: {  	[timem:s8], [sflag:s22] =	dma.local [hbm:s6], s20  }
0xa4: {  	_ =	swait.ge [sflag:s22], s20  }
0xa5: {  	s5 =	ssub.s32 $0x0, s20;
	[sflag:s22] =	ssyncset.done $0x0  }
0xa6: {  	[sflag:s22] =	ssyncadd.s32 s5;
	_ =	sdelay $0x1  }
0xa7: {  	s23 =	simm.s32 $0x1B8B  }
0xa8: {  	_ =	swait.ge [sflag:s23], $0x1  }
0xa9: {  	[sflag:s23] =	ssyncset.done $0x0  }
0xaa: {  	s25 =	simm.s32 $0x1B8E;
	s24 =	sld [smem:$0x3FFE];
	[sflag:s23] =	ssyncadd.s32 $0xFFFFFFFF  }
0xab: {  	s26 =	simm.s32 $execute0_lowered;
	[smem:$0x3FD2] =	sst s25  }
0xac: {  	s6 =	sshll.u32 s26, $0x1;
	_ =	strace $0x80000046;
	[dreg:$0x1] =	wrdreg $0xFFFFFFFF  }
0xad: {  	s28 =	simm.s32 $_size_execute0_lowered;
	s4 =	sadd.s32 s4, s6;
	[dreg:$0x0] =	wrdreg $0x0  }
0xae: {  	s6 =	sshll.u32 s28, $0x1;
	[dreg:$0x2] =	wrdreg s4  }
0xaf: {  	[dreg:$0x3] =	wrdreg s6  }
0xb0: {  	[dreg:$0x4] =	wrdreg $0xC0  }
0xb1: {  	_ =	task [dreg:s8], $0x5FFFF  }
0xb2: {  	[dreg:$0x1] =	wrdreg $0xFFFFFFFF  }
0xb3: {  	[dreg:$0x0] =	wrdreg $0x60  }
0xb4: {  	[dreg:$0x2] =	wrdreg s16  }
0xb5: {  	[dreg:$0x3] =	wrdreg s24  }
0xb6: {  	[dreg:$0x4] =	wrdreg s17  }
0xb7: {  	[dreg:$0x5] =	wrdreg $0x51000  }
0xb8: {  	[dreg:$0x6] =	wrdreg $0x9  }
0xb9: {  	_ =	task.clear_ibuf [dreg:s8], $0x7FFFF;
	_ =	strace $0x90000046  }
0xba: {  	s29 =	simm.s32 $0x9;
	_ =	strace $0x80000048  }
0xbb: {  	_ =	swait.ge [sflag:s29], $0x1  }
0xbc: {  	[sflag:s29] =	ssyncadd.s32 $0xFFFFFFFF  }
0xbd: {  	_ =	strace $0x90000048  }
0xbe: {  	_ =	sfence  }
0xbf: {  	s30 =	sld [smem:$0x0];
	_ =	sdelay $0x2  }
0xc0: {  	s31 =	sshll.u32 s1, $0xD;
	s1 =	sshrl.u32 s1, $0x2  }
0xc1: {  	s3 =	sand.u32 $0x4000, s31;
	s1 =	sadd.s32 s1, s30  }
0xc2: {  	s0 =	sor.u32 s3, s0;
	s1 =	sshll.u32 s1, $0x11  }
0xc3: {  	s0 =	sor.u32 s1, s0  }
0xc4: {  	s0 =	sadd.s32 $0x8F2B, s0  }
0xc5: {  	[sflag:s0] =	ssyncadd.remote.s32 $0x1  }
0xc6: {  	_ =	sfence.sel $0xFFFF  }
0xc7: {  	[dreg:$0x0] =	wrdreg $0xFFFFFFFF;
	(pc) =	sbr.abs _section_cstart, $3  }
0xc8: {  	[dreg:$0x1] =	wrdreg $0xFFFFFFFF  }
0xc9: {  	_ =	task.clear_ibuf [dreg:s8], $0x2FFFF;
	_ =	strace $0x9FFFFFFF  }
0xca: {  	(tm) =	ssettm $0x7FFFFFFF  }
0xcb: {  	_ =	shalt  }
tec
execute0_lowered:
.L_overlay_start_1:
0x0: {  	(tag) =	ssettag $0x1  }
0x1: {  	s1 =	rddreg [dreg:$0x0]  }
0x2: {  	s11 =	rddreg [dreg:$0x1]  }
0x3: {  	s2 =	rddreg [dreg:$0x2]  }
0x4: {  	s4 =	rddreg [dreg:$0x3]  }
0x5: {  	s0 =	rddreg [dreg:$0x4]  }
0x6: {  	s5 =	simm.s32 $0x0;
	s3 =	stileid.u32;
	s8 =	srdreg.scid  }
0x7: {  	s20 =	simm.s32 $0x50;
	s21 =	simm.s32 $0x100;
	s22 =	simm.s32 $0x1  }
0x8: {  	s23 =	simm.s32 $0x2900;
	s24 =	simm.s32 $0x0;
	[smem:$0x7FF] =	sst s5  }
0x9: {  	s12 =	smul.u32 $0x13800, s3;
	s6 =	sadd.s32 $0x4F8600, s11;
	s7 =	sadd.s32 $0xC800, s11  }
0xa: {  	s9 =	sand.u32 $0x1, s8;
	s8 =	sadd.s32 $0x2A00, s11;
	s15 =	smul.u32 $0x4E000, s3  }
0xb: {  	s16 =	sadd.s32 $0x3D800, s11;
	s25 =	sshll.u32 s3, $0x1;
	s29 =	sshll.u32 s3, $0x6  }
0xc: {  	s19 =	sadd.s32 $0x138000, s4;
	p0 =	sne.s32 s3, $0xF;
	_ =	strace $0x80000047  }
0xd: {  	s13 =	ssub.s32 $0x2, s9;
	s28 =	smul.u32 $0x138800, s9;
	s10 =	sshrl.u32 s12, $0x3  }
0xe: {  	s14 =	sshrl.u32 s13, $0x1;
	s26 =	sshrl.u32 s15, $0x2;
	s10 =	sadd.s32 s10, s11  }
0xf: {  	s17 =	ssub.s32 s13, s14;
	s13 =	sor.u32 s9, s25;
	s18 =	sadd.s32 s26, s4  }
0x10: {  	s12 =	sadd.s32 s12, s28;
	s11 =	sadd.s32 $0x3D600, s11;
	s15 =	sshrl.u32 s28, $0x3  }
0x11: {  	s9 =	sadd.s32 $0x16600, s10;
	s10 =	sor.u32 $0x1C02, s29;
	s30 =	sshrl.u32 s12, $0x3  }
0x12: {  	s12 =	smul.u32 $0x2710, s13;
	s31 =	sadd.s32 s16, s15;
	s15 =	smax.u32 s17, $0x1  }
0x13: {  	s17 =	simm.s32 $0x2;
	s13 =	sadd.s32 s16, s30;
	s14 =	sadd.s32 $0x27000, s31  }
0x14: {  	s16 =	sshrl.u32 s18, $0x3;
	s18 =	sshrl.u32 @!p0 s19, $0x3;
	s19 =	simm.s32 $0x80  }
.LBB2_1:
0x15: {  	[spmem:s16], [sflag:s10] =	dma.local [hbm:s9], $0x2700  }
0x16: {  	_ =	swait.ge [sflag:s17], $0x2700  }
0x17: {  	[sflag:s17] =	ssyncset.done $0x0  }
0x18: {  	s25 =	simm.s32 @!p0 $0x2;
	[sflag:s17] =	ssyncadd.s32 $0xFFFFD900  }
0x19: {  	[spmem:s18], [sflag:s10] =	dma.local @!p0 [hbm:s11], $0x100  }
0x1a: {  	_ =	swait.ge @!p0 [sflag:s25], $0x100  }
0x1b: {  	[sflag:s25] =	ssyncset.done @!p0 $0x0  }
0x1c: {  	[sflag:s25] =	ssyncadd.s32 @!p0 $0xFFFFFF00  }
0x1d: {  	s25 =	simm.s32 $0x0;
	[bflag:$0x0] =	sbarrier.arrive $0xFFFF  }
.LBB2_2:
0x1e: {  	s26 =	smul.u32 $0x50, s25;
	_ =	sdelay $0x1  }
0x1f: {  	s26 =	sadd.s32 s12, s26  }
0x20: {  	s28 =	sshrl.u32 s26, $0x3  }
0x21: {  	s30 =	simm.s32 $0x0;
	s29 =	sadd.s32 s7, s28  }
0x22: {  	[tilespmem:s30], [sflag:$0x2] =	stream.linear.gather [hbm4b:s29+s30], $0x50, $0x38;
	[tilespmem:$0x18980] =	vst v63  }
0x23: {  	_ =	swait.ge [sflag:s17], $0x50  }
0x24: {  	[sflag:s17] =	ssyncset.done $0x0  }
0x25: {  	s28 =	sadd.s32 s8, s28;
	[sflag:s17] =	ssyncadd.s32 $0xFFFFFFB0  }
0x26: {  	[tilespmem:s19], [sflag:$0x2] =	stream.linear.gather [hbm4b:s28+s30], $0x50, $0x38;
	[tilespmem:$0x18980] =	vst v63  }
0x27: {  	_ =	swait.ge [sflag:s17], $0x50  }
0x28: {  	[sflag:s17] =	ssyncset.done $0x0  }
0x29: {  	[sflag:s17] =	ssyncadd.s32 $0xFFFFFFB0  }
0x2a: {  	[tilespmem:s21], [sflag:$0x1] =	stream.indirect.gather [hbm4b:s1+s20], $0x80, s30, s20, $0xb8;
	[tilespmem:$0x18980] =	vst v63  }
0x2b: {  	_ =	swait.ge [sflag:s22], $0x2800  }
0x2c: {  	s26 =	sshll.u32 s26, $0x4;
	[sflag:s22] =	ssyncset.done $0x0  }
0x2d: {  	s28 =	sadd.s32 s6, s26;
	[sflag:s22] =	ssyncadd.s32 $0xFFFFD800  }
0x2e: {  	[tilespmem:s23], [sflag:$0x2] =	stream.linear.gather [hbm4b:s28+s30], $0x2800, $0x38;
	[tilespmem:$0x18980] =	vst v63  }
0x2f: {  	_ =	swait.ge [sflag:s17], $0x2800  }
0x30: {  	[sflag:s17] =	ssyncset.done $0x0  }
0x31: {  	s28 =	simm.s32 $0x0;
	[sflag:s17] =	ssyncadd.s32 $0xFFFFD800  }
0x32: {  	v7 =	vld [tilespmem:s28+$0x2900]  }
0x33: {  	v11 =	vld [tilespmem:s28+$0x2910]  }
0x34: {  	v5 =	vld [tilespmem:s28+$0x2920]  }
0x35: {  	v4 =	vld [tilespmem:s28+$0x2930]  }
0x36: {  	v3 =	vld [tilespmem:s28+$0x2940]  }
0x37: {  	v2 =	vld [tilespmem:s28+$0x2950]  }
0x38: {  	v1 =	vld [tilespmem:s28+$0x2960]  }
0x39: {  	v0 =	vld [tilespmem:s28+$0x2970]  }
0x3a: {  	v12 =	vld [tilespmem:s28+$0x100]  }
0x3b: {  	v13 =	vld [tilespmem:s28+$0x110]  }
0x3c: {  	v10 =	vld [tilespmem:s28+$0x120]  }
0x3d: {  	v9 =	vld [tilespmem:s28+$0x130]  }
0x3e: {  	v8 =	vld [tilespmem:s28+$0x140]  }
0x3f: {  	v6 =	vld [tilespmem:s28+$0x150];
	v12 =	vmul.f32 v7, v12  }
0x40: {  	s29 =	simm.s32 $0x200;
	v11 =	vmul.f32 v11, v13;
	v7 =	vld [tilespmem:s28+$0x160]  }
.LBB2_3:
0x41: {  	s30 =	sshra.s32 s29, $0x2;
	p1 =	sne.s32 s29, $0x9E00;
	[tilespmem:s28+$0x100] =	vst v12;
	v5 =	vmul.f32 v5, v10;
	v10 =	vld [tilespmem:s28+$0x170]  }
0x42: {  	v12 =	vld [tilespmem:s30+$0x2900];
	[tilespmem:s28+$0x110] =	vst v11;
	v4 =	vmul.f32 v4, v9  }
0x43: {  	v11 =	vld [tilespmem:s30+$0x2910];
	[tilespmem:s28+$0x120] =	vst v5;
	v3 =	vmul.f32 v3, v8  }
0x44: {  	v5 =	vld [tilespmem:s30+$0x2920];
	[tilespmem:s28+$0x130] =	vst v4;
	v2 =	vmul.f32 v2, v6  }
0x45: {  	v4 =	vld [tilespmem:s30+$0x2930];
	[tilespmem:s28+$0x140] =	vst v3;
	v1 =	vmul.f32 v1, v7  }
0x46: {  	v3 =	vld [tilespmem:s30+$0x2940];
	[tilespmem:s28+$0x150] =	vst v2;
	v0 =	vmul.f32 v0, v10  }
0x47: {  	v2 =	vld [tilespmem:s30+$0x2950];
	[tilespmem:s28+$0x160] =	vst v1  }
0x48: {  	v1 =	vld [tilespmem:s30+$0x2960];
	[tilespmem:s28+$0x170] =	vst v0;
	s28 =	smov.u32 s30  }
0x49: {  	v0 =	vld [tilespmem:s28+$0x2970]  }
0x4a: {  	v6 =	vld [tilespmem:s28+$0x100]  }
0x4b: {  	v7 =	vld [tilespmem:s28+$0x110]  }
.Ltmp0:
0x4c: {  	v10 =	vld [tilespmem:s28+$0x120];
	(pc) =	sbr.rel @p1 .LBB2_3-.Ltmp0, $4  }
0x4d: {  	v9 =	vld [tilespmem:s28+$0x130]  }
0x4e: {  	v8 =	vld [tilespmem:s28+$0x140]  }
0x4f: {  	v12 =	vmul.f32 v12, v6;
	v6 =	vld [tilespmem:s28+$0x150]  }
0x50: {  	s29 =	sadd.s32 $0x200, s29;
	v11 =	vmul.f32 v11, v7;
	v7 =	vld [tilespmem:s28+$0x160]  }
0x51: {  	[tilespmem:s28+$0x100] =	vst v12;
	v5 =	vmul.f32 v5, v10;
	v63 =	vld [tilespmem:s28+$0x170]  }
0x52: {  	[tilespmem:s28+$0x110] =	vst v11;
	v4 =	vmul.f32 v4, v9  }
0x53: {  	[tilespmem:s28+$0x120] =	vst v5;
	v3 =	vmul.f32 v3, v8  }
0x54: {  	[tilespmem:s28+$0x130] =	vst v4;
	v2 =	vmul.f32 v2, v6  }
0x55: {  	[tilespmem:s28+$0x140] =	vst v3;
	v1 =	vmul.f32 v1, v7  }
0x56: {  	[tilespmem:s28+$0x150] =	vst v2;
	v0 =	vmul.f32 v0, v63  }
0x57: {  	[tilespmem:s28+$0x160] =	vst v1  }
0x58: {  	s26 =	sadd.s32 s2, s26;
	[tilespmem:s28+$0x170] =	vst v0  }
0x59: {  	[hbm4b:s26+s5] =	stream.linear.scatter [tilespmem:s21], [sflag:$0x2], $0x2800, $0x38;
	[tilespmem:$0x18980] =	vst v63  }
0x5a: {  	s25 =	sadd.s32 $0x1, s25;
	_ =	swait.ge [sflag:s17], $0x2800  }
0x5b: {  	p1 =	sne.s32 s25, $0x7D;
	[sflag:s17] =	ssyncset.done $0x0  }
.Ltmp1:
0x5c: {  	[sflag:s17] =	ssyncadd.s32 $0xFFFFD800;
	(pc) =	sbr.rel @p1 .LBB2_2-.Ltmp1, $4  }
0x5d: {  	[spmem:s4] =	stream.indirect.scatter.add.f32 [tilespmem:s21], [sflag:$0x2], $0x80, s19, s20, $0xb8;
	[tilespmem:$0x18980] =	vst v63  }
0x5e: {  	_ =	swait.ge [sflag:s17], $0x2800  }
0x5f: {  	[sflag:s17] =	ssyncset.done $0x0  }
0x60: {  	[sflag:s17] =	ssyncadd.s32 $0xFFFFD800  }
0x61: {  	[bflag:$0x0] =	sbarrier.arrive $0xFFFF  }
0x62: {  	[hbm:s13], [sflag:s10] =	dma.local [spmem:s16], $0x2700  }
0x63: {  	s24 =	sadd.s32 $0x1, s24;
	_ =	swait.ge [sflag:s17], $0x2700  }
0x64: {  	p1 =	sne.s32 s24, s15;
	[sflag:s17] =	ssyncset.done $0x0  }
.Ltmp2:
0x65: {  	s25 =	simm.s32 @!p0 $0x2;
	[sflag:s17] =	ssyncadd.s32 $0xFFFFD900;
	(pc) =	sbr.rel @p1 .LBB2_1-.Ltmp2, $4  }
0x66: {  	[hbm:s14], [sflag:s10] =	dma.local @!p0 [spmem:s18], $0x100  }
0x67: {  	_ =	swait.ge @!p0 [sflag:s25], $0x100  }
0x68: {  	[sflag:s25] =	ssyncset.done @!p0 $0x0  }
0x69: {  	[sflag:s25] =	ssyncadd.s32 @!p0 $0xFFFFFF00  }
0x6a: {  	_ =	sfence.sel $0x180000  }
0x6b: {  	[bflag:$0x0] =	sbarrier.arrive $0xFFFF  }
0x6c: {  	p0 =	sne.s32 s3, $0x0;
	_ =	strace $0x90000047  }
0x6d: {  	s0 =	sadd.s32 @!p0 $0x100000, s0;
	[bflag:$0x2] =	sbarrier.arrive $0xFFFF  }
0x6e: {  	[sflag:s0] =	ssyncadd.tile.s32 @!p0 $0x1;
	_ =	shalt  }
.Lfunc_end2:
_tile_overlayer_lowered:
.L_overlay_start_2:
0x6f: {  	(tag) =	ssettag $0x2  }
0x70: {  	s0 =	rddreg [dreg:$0x0];
	s2 =	stileid.u32  }
0x71: {  	s1 =	rddreg [dreg:$0x1];
	p0 =	sne.s32 s2, $0x0  }
0x72: {  	s3 =	rddreg [dreg:$0x2];
	[bflag:$0x3] =	sbarrier.arrive $0xFFFF;
	s2 =	simm.s32 @!p0 $0x1C02  }
0x73: {  	[timem:s3], [sflag:s2] =	dma.local @!p0 [hbm:s0], s1  }
0x74: {  	s0 =	simm.s32 @!p0 $0x2  }
0x75: {  	_ =	swait.ge @!p0 [sflag:s0], s1  }
0x76: {  	s1 =	ssub.s32 @!p0 $0x0, s1;
	[sflag:s0] =	ssyncset.done @!p0 $0x0  }
0x77: {  	[sflag:s0] =	ssyncadd.s32 @!p0 s1  }
0x78: {  	[bflag:$0x3] =	sbarrier.arrive $0xFFFF  }
0x79: {  	_ =	shalt  }

</sc_bundles>
